<compile_context>
chip_gen: v7x
topology: tpu7x:2x2x1
jax: 0.10.2.dev20260603
libtpu: 0.0.44.dev20260713+nightly
codegen_flags: <defaults>
</compile_context>

<pallas_src>
import dataclasses
import functools

import jax
import jax.numpy as jnp
from jax import lax
from jax.experimental import pallas as pl
from jax.experimental.pallas import tpu as pltpu
from jax.experimental.pallas import tpu_sc as plsc

_BATCH = 4096
_TIME = 200
_DIM = 32
_N = _BATCH * _TIME
_NQ = _N // 4
_NC = 2
_NS = 16
_NW = _NC * _NS
_QPW = _NQ // _NW
_BPW = _N // _NW
_C4 = 320
_STEPS = _QPW // _C4

_TC_B = 8
_TC_G = _TC_B * _TIME
_TC_PER_K = _NQ // _TC_G
_TC_BLKS = 4 * _TC_PER_K


def _compiler_params():
    cp = pltpu.CompilerParams()
    if "use_tc_tiling_on_sc" in pltpu.CompilerParams.__dataclass_fields__:
        cp = dataclasses.replace(cp, use_tc_tiling_on_sc=False)
    return cp


def _sc_gather(W, idxs):
    mesh = plsc.VectorSubcoreMesh(core_axis_name="c", subcore_axis_name="s")

    @functools.partial(
        pl.kernel,
        out_type=jax.ShapeDtypeStruct((_NQ, 128), jnp.float32),
        mesh=mesh,
        scratch_types=[
            pltpu.VMEM((_BPW,), jnp.int32),
            [pltpu.VMEM((_C4, _DIM), jnp.float32) for _ in range(4)],
            [pltpu.VMEM((_C4, _DIM), jnp.float32) for _ in range(4)],
            pltpu.SemaphoreType.DMA,
            pltpu.SemaphoreType.DMA,
            pltpu.SemaphoreType.DMA,
            pltpu.SemaphoreType.DMA,
        ],
        compiler_params=_compiler_params(),
    )
    def gather_kernel(w_hbm, i_hbm, o_hbm, idx_v, rows0, rows1,
                      sg0, sg1, so0, so1):
        wid = lax.axis_index("s") * _NC + lax.axis_index("c")
        base = wid * _QPW

        for k in range(4):
            pltpu.sync_copy(
                i_hbm.at[pl.ds(k * _NQ + base, _QPW)],
                idx_v.at[pl.ds(k * _QPW, _QPW)],
            )

        def out_slice(c, k):
            return o_hbm.at[pl.ds(c, _C4), pl.ds(k * _DIM, _DIM)]

        def drain_store(rows, sem):
            for k in range(4):
                pltpu.make_async_copy(rows[k], out_slice(base, k), sem).wait()

        def gather_chunk(g, rows, sg):
            return [
                pltpu.async_copy(
                    w_hbm.at[idx_v.at[pl.ds(k * _QPW + g * _C4, _C4)]],
                    rows[k], sg,
                )
                for k in range(4)
            ]

        def store_chunk(c, rows, so):
            for k in range(4):
                pltpu.async_copy(rows[k], out_slice(c, k), so)

        @pl.loop(0, _STEPS, step=2)
        def _(g):
            c0 = base + g * _C4
            c1 = c0 + _C4

            @pl.when(g >= 2)
            def _():
                drain_store(rows0, so0)

            h0 = gather_chunk(g, rows0, sg0)

            @pl.when(g >= 2)
            def _():
                drain_store(rows1, so1)

            h1 = gather_chunk(g + 1, rows1, sg1)

            for h in h0:
                h.wait()
            store_chunk(c0, rows0, so0)
            for h in h1:
                h.wait()
            store_chunk(c1, rows1, so1)

        drain_store(rows0, so0)
        drain_store(rows1, so1)

    return gather_kernel(W, idxs)


def _tc_unpack_kernel(g_ref, out_ref):
    k = pl.program_id(0) // _TC_PER_K
    g = g_ref[...]
    for kk in range(4):
        @pl.when(k == kk)
        def _():
            out_ref[...] = (
                g[:, kk * _DIM:(kk + 1) * _DIM]
                .reshape(_TC_B, _TIME, _DIM)
            )


def _tc_unpack(G):
    return pl.pallas_call(
        _tc_unpack_kernel,
        grid=(_TC_BLKS,),
        in_specs=[pl.BlockSpec((_TC_G, 128), lambda b: (b % _TC_PER_K, 0))],
        out_specs=pl.BlockSpec((_TC_B, _TIME, _DIM), lambda b: (b, 0, 0)),
        out_shape=jax.ShapeDtypeStruct((_BATCH, _TIME, _DIM), jnp.float32),
    )(G)


def kernel(X, W):
    idx = X.reshape(_N)
    G = _sc_gather(W, idx)
    return _tc_unpack(G)

# --- scband reference (transcript-rebuilt; emitter-appended) ---
"""Pipeline reference for scband-embedded-81157702025643 (READ-ONLY COPY).

The authoritative reference and input builder live on the scoring server;
editing this copy changes nothing except your own understanding.
"""

import jax, jax.numpy as jnp
import numpy as np

BATCH = 4096
TIME = 200
VOCAB = 1000000
DIM = 32

def setup_inputs(seed: int = 0) -> dict:
    key = jax.random.key(seed)
    k1, k2 = jax.random.split(key)
    X = jax.random.randint(k1, (BATCH, TIME), 0, VOCAB, dtype=jnp.int64 if jax.config.jax_enable_x64 else jnp.int32)
    # glorot_normal init for the embedding table
    std = jnp.sqrt(2.0 / (VOCAB + DIM))
    W = jax.random.normal(k2, (VOCAB, DIM), dtype=jnp.float32) * std
    return {"X": X, "W": W}

def reference(X, W):
    # faithful translation of Embedded.forward
    X_flat = jnp.reshape(X, (BATCH * TIME,))
    A = jnp.take(W, X_flat, axis=0)  # tf.nn.embedding_lookup
    A = jnp.reshape(A, (BATCH, TIME, DIM))
    return A

if __name__ == "__main__":
    import jax
    _d = setup_inputs()
    print(jax.jit(kernel)(*tuple(_d.values())))

</pallas_src>

<mosaic_0001>
#map = affine_map<(d0, d1) -> (0, 0)>
#map1 = affine_map<(d0, d1) -> (0)>
module attributes {stable_mosaic.version = 14 : i64} {
  func.func @gather_kernel(%arg0: i32, %arg1: i32, %arg2: memref<1000000x32xf32, #tpu.memory_space<hbm>>, %arg3: memref<819200xi32, #tpu.memory_space<hbm>>, %arg4: memref<204800x128xf32, #tpu.memory_space<hbm>>, %arg5: memref<25600xi32, #tpu.memory_space<vmem>>, %arg6: memref<320x32xf32, #tpu.memory_space<vmem>>, %arg7: memref<320x32xf32, #tpu.memory_space<vmem>>, %arg8: memref<320x32xf32, #tpu.memory_space<vmem>>, %arg9: memref<320x32xf32, #tpu.memory_space<vmem>>, %arg10: memref<320x32xf32, #tpu.memory_space<vmem>>, %arg11: memref<320x32xf32, #tpu.memory_space<vmem>>, %arg12: memref<320x32xf32, #tpu.memory_space<vmem>>, %arg13: memref<320x32xf32, #tpu.memory_space<vmem>>, %arg14: memref<!tpu.dma_semaphore, #tpu.memory_space<semaphore_mem>>, %arg15: memref<!tpu.dma_semaphore, #tpu.memory_space<semaphore_mem>>, %arg16: memref<!tpu.dma_semaphore, #tpu.memory_space<semaphore_mem>>, %arg17: memref<!tpu.dma_semaphore, #tpu.memory_space<semaphore_mem>>) attributes {dimension_semantics = [#tpu.dimension_semantics<core_parallel>, #tpu.dimension_semantics<subcore_parallel>], iteration_bounds = array<i64: 2, 16>, scalar_prefetch = 0 : i64, scratch_operands = 13 : i64, tpu.core_type = #tpu.core_type<sc_vector_subcore>, window_params = [{transform_indices = #map}, {transform_indices = #map1}, {transform_indices = #map}]} {
    %mul3A = arith.constant 2 : i32
    %mul3A_0 = arith.muli %arg1, %mul3A : i32
    %add3A = arith.addi %mul3A_0, %arg0 : i32
    %mul3A_1 = arith.constant 6400 : i32
    %mul3A_2 = arith.muli %add3A, %mul3A_1 : i32
    %add3A_3 = arith.constant 0 : i32
    %add3A_4 = arith.addi %add3A_3, %mul3A_2 : i32
    "tpu.region"() ({
      %run_scoped3A = tpu.sem_alloc : memref<!tpu.dma_semaphore, #tpu.memory_space<semaphore_mem>>
      %dma_start3A = arith.constant 0 : i32
      %dma_start3A_46 = tpu.memref_slice %arg5[%dma_start3A] : memref<25600xi32, #tpu.memory_space<vmem>> -> memref<6400xi32, #tpu.memory_space<vmem>>
      %dma_start3A_47 = tpu.memref_slice %arg3[%add3A_4] : memref<819200xi32, #tpu.memory_space<hbm>> -> memref<6400xi32, #tpu.memory_space<hbm>>
      %dma_start3A_48 = arith.constant 0 : i32
      %dma_start3A_49 = tpu.memref_slice %arg5[%dma_start3A_48] : memref<25600xi32, #tpu.memory_space<vmem>> -> memref<6400xi32, #tpu.memory_space<vmem>>
      %dma_start3A_50 = tpu.memref_slice %arg3[%add3A_4] : memref<819200xi32, #tpu.memory_space<hbm>> -> memref<6400xi32, #tpu.memory_space<hbm>>
      tpu.enqueue_dma source(%dma_start3A_50 : memref<6400xi32, #tpu.memory_space<hbm>>) target(%dma_start3A_49 : memref<6400xi32, #tpu.memory_space<vmem>>) target_semaphore(%run_scoped3A : memref<!tpu.dma_semaphore, #tpu.memory_space<semaphore_mem>>)
      %dma_wait3A_51 = arith.constant 0 : i32
      %dma_wait3A_52 = tpu.memref_slice %arg5[%dma_wait3A_51] : memref<25600xi32, #tpu.memory_space<vmem>> -> memref<6400xi32, #tpu.memory_space<vmem>>
      %dma_wait3A_53 = tpu.memref_slice %arg3[%add3A_4] : memref<819200xi32, #tpu.memory_space<hbm>> -> memref<6400xi32, #tpu.memory_space<hbm>>
      %dma_wait3A_54 = arith.constant 0 : i32
      %dma_wait3A_55 = tpu.memref_slice %arg5[%dma_wait3A_54] : memref<25600xi32, #tpu.memory_space<vmem>> -> memref<6400xi32, #tpu.memory_space<vmem>>
      %dma_wait3A_56 = tpu.memref_slice %arg3[%add3A_4] : memref<819200xi32, #tpu.memory_space<hbm>> -> memref<6400xi32, #tpu.memory_space<hbm>>
      tpu.wait_dma2 semaphore(%run_scoped3A : memref<!tpu.dma_semaphore, #tpu.memory_space<semaphore_mem>>) src(%dma_wait3A_56 : memref<6400xi32, #tpu.memory_space<hbm>>) dst(%dma_wait3A_55 : memref<6400xi32, #tpu.memory_space<vmem>>)
      tpu.yield
    }) : () -> ()
    %add3A_5 = arith.constant 204800 : i32
    %add3A_6 = arith.addi %add3A_5, %mul3A_2 : i32
    "tpu.region"() ({
      %run_scoped3A = tpu.sem_alloc : memref<!tpu.dma_semaphore, #tpu.memory_space<semaphore_mem>>
      %dma_start3A = arith.constant 6400 : i32
      %dma_start3A_46 = tpu.memref_slice %arg5[%dma_start3A] : memref<25600xi32, #tpu.memory_space<vmem>> -> memref<6400xi32, #tpu.memory_space<vmem>>
      %dma_start3A_47 = tpu.memref_slice %arg3[%add3A_6] : memref<819200xi32, #tpu.memory_space<hbm>> -> memref<6400xi32, #tpu.memory_space<hbm>>
      %dma_start3A_48 = arith.constant 6400 : i32
      %dma_start3A_49 = tpu.memref_slice %arg5[%dma_start3A_48] : memref<25600xi32, #tpu.memory_space<vmem>> -> memref<6400xi32, #tpu.memory_space<vmem>>
      %dma_start3A_50 = tpu.memref_slice %arg3[%add3A_6] : memref<819200xi32, #tpu.memory_space<hbm>> -> memref<6400xi32, #tpu.memory_space<hbm>>
      tpu.enqueue_dma source(%dma_start3A_50 : memref<6400xi32, #tpu.memory_space<hbm>>) target(%dma_start3A_49 : memref<6400xi32, #tpu.memory_space<vmem>>) target_semaphore(%run_scoped3A : memref<!tpu.dma_semaphore, #tpu.memory_space<semaphore_mem>>)
      %dma_wait3A_51 = arith.constant 6400 : i32
      %dma_wait3A_52 = tpu.memref_slice %arg5[%dma_wait3A_51] : memref<25600xi32, #tpu.memory_space<vmem>> -> memref<6400xi32, #tpu.memory_space<vmem>>
      %dma_wait3A_53 = tpu.memref_slice %arg3[%add3A_6] : memref<819200xi32, #tpu.memory_space<hbm>> -> memref<6400xi32, #tpu.memory_space<hbm>>
      %dma_wait3A_54 = arith.constant 6400 : i32
      %dma_wait3A_55 = tpu.memref_slice %arg5[%dma_wait3A_54] : memref<25600xi32, #tpu.memory_space<vmem>> -> memref<6400xi32, #tpu.memory_space<vmem>>
      %dma_wait3A_56 = tpu.memref_slice %arg3[%add3A_6] : memref<819200xi32, #tpu.memory_space<hbm>> -> memref<6400xi32, #tpu.memory_space<hbm>>
      tpu.wait_dma2 semaphore(%run_scoped3A : memref<!tpu.dma_semaphore, #tpu.memory_space<semaphore_mem>>) src(%dma_wait3A_56 : memref<6400xi32, #tpu.memory_space<hbm>>) dst(%dma_wait3A_55 : memref<6400xi32, #tpu.memory_space<vmem>>)
      tpu.yield
    }) : () -> ()
    %add3A_7 = arith.constant 409600 : i32
    %add3A_8 = arith.addi %add3A_7, %mul3A_2 : i32
    "tpu.region"() ({
      %run_scoped3A = tpu.sem_alloc : memref<!tpu.dma_semaphore, #tpu.memory_space<semaphore_mem>>
      %dma_start3A = arith.constant 12800 : i32
      %dma_start3A_46 = tpu.memref_slice %arg5[%dma_start3A] : memref<25600xi32, #tpu.memory_space<vmem>> -> memref<6400xi32, #tpu.memory_space<vmem>>
      %dma_start3A_47 = tpu.memref_slice %arg3[%add3A_8] : memref<819200xi32, #tpu.memory_space<hbm>> -> memref<6400xi32, #tpu.memory_space<hbm>>
      %dma_start3A_48 = arith.constant 12800 : i32
      %dma_start3A_49 = tpu.memref_slice %arg5[%dma_start3A_48] : memref<25600xi32, #tpu.memory_space<vmem>> -> memref<6400xi32, #tpu.memory_space<vmem>>
      %dma_start3A_50 = tpu.memref_slice %arg3[%add3A_8] : memref<819200xi32, #tpu.memory_space<hbm>> -> memref<6400xi32, #tpu.memory_space<hbm>>
      tpu.enqueue_dma source(%dma_start3A_50 : memref<6400xi32, #tpu.memory_space<hbm>>) target(%dma_start3A_49 : memref<6400xi32, #tpu.memory_space<vmem>>) target_semaphore(%run_scoped3A : memref<!tpu.dma_semaphore, #tpu.memory_space<semaphore_mem>>)
      %dma_wait3A_51 = arith.constant 12800 : i32
      %dma_wait3A_52 = tpu.memref_slice %arg5[%dma_wait3A_51] : memref<25600xi32, #tpu.memory_space<vmem>> -> memref<6400xi32, #tpu.memory_space<vmem>>
      %dma_wait3A_53 = tpu.memref_slice %arg3[%add3A_8] : memref<819200xi32, #tpu.memory_space<hbm>> -> memref<6400xi32, #tpu.memory_space<hbm>>
      %dma_wait3A_54 = arith.constant 12800 : i32
      %dma_wait3A_55 = tpu.memref_slice %arg5[%dma_wait3A_54] : memref<25600xi32, #tpu.memory_space<vmem>> -> memref<6400xi32, #tpu.memory_space<vmem>>
      %dma_wait3A_56 = tpu.memref_slice %arg3[%add3A_8] : memref<819200xi32, #tpu.memory_space<hbm>> -> memref<6400xi32, #tpu.memory_space<hbm>>
      tpu.wait_dma2 semaphore(%run_scoped3A : memref<!tpu.dma_semaphore, #tpu.memory_space<semaphore_mem>>) src(%dma_wait3A_56 : memref<6400xi32, #tpu.memory_space<hbm>>) dst(%dma_wait3A_55 : memref<6400xi32, #tpu.memory_space<vmem>>)
      tpu.yield
    }) : () -> ()
    %add3A_9 = arith.constant 614400 : i32
    %add3A_10 = arith.addi %add3A_9, %mul3A_2 : i32
    "tpu.region"() ({
      %run_scoped3A = tpu.sem_alloc : memref<!tpu.dma_semaphore, #tpu.memory_space<semaphore_mem>>
      %dma_start3A = arith.constant 19200 : i32
      %dma_start3A_46 = tpu.memref_slice %arg5[%dma_start3A] : memref<25600xi32, #tpu.memory_space<vmem>> -> memref<6400xi32, #tpu.memory_space<vmem>>
      %dma_start3A_47 = tpu.memref_slice %arg3[%add3A_10] : memref<819200xi32, #tpu.memory_space<hbm>> -> memref<6400xi32, #tpu.memory_space<hbm>>
      %dma_start3A_48 = arith.constant 19200 : i32
      %dma_start3A_49 = tpu.memref_slice %arg5[%dma_start3A_48] : memref<25600xi32, #tpu.memory_space<vmem>> -> memref<6400xi32, #tpu.memory_space<vmem>>
      %dma_start3A_50 = tpu.memref_slice %arg3[%add3A_10] : memref<819200xi32, #tpu.memory_space<hbm>> -> memref<6400xi32, #tpu.memory_space<hbm>>
      tpu.enqueue_dma source(%dma_start3A_50 : memref<6400xi32, #tpu.memory_space<hbm>>) target(%dma_start3A_49 : memref<6400xi32, #tpu.memory_space<vmem>>) target_semaphore(%run_scoped3A : memref<!tpu.dma_semaphore, #tpu.memory_space<semaphore_mem>>)
      %dma_wait3A_51 = arith.constant 19200 : i32
      %dma_wait3A_52 = tpu.memref_slice %arg5[%dma_wait3A_51] : memref<25600xi32, #tpu.memory_space<vmem>> -> memref<6400xi32, #tpu.memory_space<vmem>>
      %dma_wait3A_53 = tpu.memref_slice %arg3[%add3A_10] : memref<819200xi32, #tpu.memory_space<hbm>> -> memref<6400xi32, #tpu.memory_space<hbm>>
      %dma_wait3A_54 = arith.constant 19200 : i32
      %dma_wait3A_55 = tpu.memref_slice %arg5[%dma_wait3A_54] : memref<25600xi32, #tpu.memory_space<vmem>> -> memref<6400xi32, #tpu.memory_space<vmem>>
      %dma_wait3A_56 = tpu.memref_slice %arg3[%add3A_10] : memref<819200xi32, #tpu.memory_space<hbm>> -> memref<6400xi32, #tpu.memory_space<hbm>>
      tpu.wait_dma2 semaphore(%run_scoped3A : memref<!tpu.dma_semaphore, #tpu.memory_space<semaphore_mem>>) src(%dma_wait3A_56 : memref<6400xi32, #tpu.memory_space<hbm>>) dst(%dma_wait3A_55 : memref<6400xi32, #tpu.memory_space<vmem>>)
      tpu.yield
    }) : () -> ()
    %scan3A = arith.constant 0 : i32
    %scan3A_11 = arith.constant 10 : i32
    %scan3A_12 = arith.addi %scan3A, %scan3A_11 : i32
    %scan3A_13 = arith.constant 1 : i32
    scf.for %scan3A_46 = %scan3A to %scan3A_12 step %scan3A_13  : i32 {
      %mul3A_47 = arith.constant 2 : i32
      %mul3A_48 = arith.muli %scan3A_46, %mul3A_47 : i32
      %add3A_49 = arith.constant 0 : i32
      %add3A_50 = arith.addi %add3A_49, %mul3A_48 : i32
      %mul3A_51 = arith.constant 320 : i32
      %mul3A_52 = arith.muli %add3A_50, %mul3A_51 : i32
      %add3A_53 = arith.addi %mul3A_2, %mul3A_52 : i32
      %add3A_54 = arith.constant 320 : i32
      %add3A_55 = arith.addi %add3A_53, %add3A_54 : i32
      %ge3A = arith.constant 2 : i32
      %ge3A_56 = arith.cmpi sge, %add3A_50, %ge3A : i32
      %convert_element_type3A = arith.extui %ge3A_56 : i1 to i32
      %cond3A = arith.constant 0 : i32
      %cond3A_57 = arith.cmpi ne, %convert_element_type3A, %cond3A : i32
      scf.if %cond3A_57 {
        %dma_wait3A_192 = arith.constant 0 : i32
        %dma_wait3A_193 = tpu.memref_slice %arg4[%mul3A_2, %dma_wait3A_192] : memref<204800x128xf32, #tpu.memory_space<hbm>> -> memref<320x32xf32, #tpu.memory_space<hbm>>
        %dma_wait3A_194 = arith.constant 0 : i32
        %dma_wait3A_195 = tpu.memref_slice %arg4[%mul3A_2, %dma_wait3A_194] : memref<204800x128xf32, #tpu.memory_space<hbm>> -> memref<320x32xf32, #tpu.memory_space<hbm>>
        tpu.wait_dma2 semaphore(%arg16 : memref<!tpu.dma_semaphore, #tpu.memory_space<semaphore_mem>>) src(%arg6 : memref<320x32xf32, #tpu.memory_space<vmem>>) dst(%dma_wait3A_195 : memref<320x32xf32, #tpu.memory_space<hbm>>)
        %dma_wait3A_196 = arith.constant 32 : i32
        %dma_wait3A_197 = tpu.memref_slice %arg4[%mul3A_2, %dma_wait3A_196] : memref<204800x128xf32, #tpu.memory_space<hbm>> -> memref<320x32xf32, #tpu.memory_space<hbm>>
        %dma_wait3A_198 = arith.constant 32 : i32
        %dma_wait3A_199 = tpu.memref_slice %arg4[%mul3A_2, %dma_wait3A_198] : memref<204800x128xf32, #tpu.memory_space<hbm>> -> memref<320x32xf32, #tpu.memory_space<hbm>>
        tpu.wait_dma2 semaphore(%arg16 : memref<!tpu.dma_semaphore, #tpu.memory_space<semaphore_mem>>) src(%arg7 : memref<320x32xf32, #tpu.memory_space<vmem>>) dst(%dma_wait3A_199 : memref<320x32xf32, #tpu.memory_space<hbm>>)
        %dma_wait3A_200 = arith.constant 64 : i32
        %dma_wait3A_201 = tpu.memref_slice %arg4[%mul3A_2, %dma_wait3A_200] : memref<204800x128xf32, #tpu.memory_space<hbm>> -> memref<320x32xf32, #tpu.memory_space<hbm>>
        %dma_wait3A_202 = arith.constant 64 : i32
        %dma_wait3A_203 = tpu.memref_slice %arg4[%mul3A_2, %dma_wait3A_202] : memref<204800x128xf32, #tpu.memory_space<hbm>> -> memref<320x32xf32, #tpu.memory_space<hbm>>
        tpu.wait_dma2 semaphore(%arg16 : memref<!tpu.dma_semaphore, #tpu.memory_space<semaphore_mem>>) src(%arg8 : memref<320x32xf32, #tpu.memory_space<vmem>>) dst(%dma_wait3A_203 : memref<320x32xf32, #tpu.memory_space<hbm>>)
        %dma_wait3A_204 = arith.constant 96 : i32
        %dma_wait3A_205 = tpu.memref_slice %arg4[%mul3A_2, %dma_wait3A_204] : memref<204800x128xf32, #tpu.memory_space<hbm>> -> memref<320x32xf32, #tpu.memory_space<hbm>>
        %dma_wait3A_206 = arith.constant 96 : i32
        %dma_wait3A_207 = tpu.memref_slice %arg4[%mul3A_2, %dma_wait3A_206] : memref<204800x128xf32, #tpu.memory_space<hbm>> -> memref<320x32xf32, #tpu.memory_space<hbm>>
        tpu.wait_dma2 semaphore(%arg16 : memref<!tpu.dma_semaphore, #tpu.memory_space<semaphore_mem>>) src(%arg9 : memref<320x32xf32, #tpu.memory_space<vmem>>) dst(%dma_wait3A_207 : memref<320x32xf32, #tpu.memory_space<hbm>>)
      } else {
      }
      %mul3A_58 = arith.constant 320 : i32
      %mul3A_59 = arith.muli %add3A_50, %mul3A_58 : i32
      %add3A_60 = arith.constant 0 : i32
      %add3A_61 = arith.addi %add3A_60, %mul3A_59 : i32
      %dma_start3A = tpu.memref_slice %arg5[%add3A_61] : memref<25600xi32, #tpu.memory_space<vmem>> -> memref<320xi32, #tpu.memory_space<vmem>>
      %dma_start3A_62 = arith.constant 0 : i32
      %dma_start3A_63 = arith.constant 0 : i32
      %dma_start3A_64 = tpu.memref_slice %arg2[%dma_start3A_62, %dma_start3A_63] : memref<1000000x32xf32, #tpu.memory_space<hbm>> -> memref<1000000x32xf32, #tpu.memory_space<hbm>>
      tpu.enqueue_indirect_dma source(%dma_start3A_64 : memref<1000000x32xf32, #tpu.memory_space<hbm>>) target(%arg6 : memref<320x32xf32, #tpu.memory_space<vmem>>) offsets(%dma_start3A : memref<320xi32, #tpu.memory_space<vmem>>) semaphore(%arg14 : memref<!tpu.dma_semaphore, #tpu.memory_space<semaphore_mem>>)
      %mul3A_65 = arith.constant 320 : i32
      %mul3A_66 = arith.muli %add3A_50, %mul3A_65 : i32
      %add3A_67 = arith.constant 6400 : i32
      %add3A_68 = arith.addi %add3A_67, %mul3A_66 : i32
      %dma_start3A_69 = tpu.memref_slice %arg5[%add3A_68] : memref<25600xi32, #tpu.memory_space<vmem>> -> memref<320xi32, #tpu.memory_space<vmem>>
      %dma_start3A_70 = arith.constant 0 : i32
      %dma_start3A_71 = arith.constant 0 : i32
      %dma_start3A_72 = tpu.memref_slice %arg2[%dma_start3A_70, %dma_start3A_71] : memref<1000000x32xf32, #tpu.memory_space<hbm>> -> memref<1000000x32xf32, #tpu.memory_space<hbm>>
      tpu.enqueue_indirect_dma source(%dma_start3A_72 : memref<1000000x32xf32, #tpu.memory_space<hbm>>) target(%arg7 : memref<320x32xf32, #tpu.memory_space<vmem>>) offsets(%dma_start3A_69 : memref<320xi32, #tpu.memory_space<vmem>>) semaphore(%arg14 : memref<!tpu.dma_semaphore, #tpu.memory_space<semaphore_mem>>)
      %mul3A_73 = arith.constant 320 : i32
      %mul3A_74 = arith.muli %add3A_50, %mul3A_73 : i32
      %add3A_75 = arith.constant 12800 : i32
      %add3A_76 = arith.addi %add3A_75, %mul3A_74 : i32
      %dma_start3A_77 = tpu.memref_slice %arg5[%add3A_76] : memref<25600xi32, #tpu.memory_space<vmem>> -> memref<320xi32, #tpu.memory_space<vmem>>
      %dma_start3A_78 = arith.constant 0 : i32
      %dma_start3A_79 = arith.constant 0 : i32
      %dma_start3A_80 = tpu.memref_slice %arg2[%dma_start3A_78, %dma_start3A_79] : memref<1000000x32xf32, #tpu.memory_space<hbm>> -> memref<1000000x32xf32, #tpu.memory_space<hbm>>
      tpu.enqueue_indirect_dma source(%dma_start3A_80 : memref<1000000x32xf32, #tpu.memory_space<hbm>>) target(%arg8 : memref<320x32xf32, #tpu.memory_space<vmem>>) offsets(%dma_start3A_77 : memref<320xi32, #tpu.memory_space<vmem>>) semaphore(%arg14 : memref<!tpu.dma_semaphore, #tpu.memory_space<semaphore_mem>>)
      %mul3A_81 = arith.constant 320 : i32
      %mul3A_82 = arith.muli %add3A_50, %mul3A_81 : i32
      %add3A_83 = arith.constant 19200 : i32
      %add3A_84 = arith.addi %add3A_83, %mul3A_82 : i32
      %dma_start3A_85 = tpu.memref_slice %arg5[%add3A_84] : memref<25600xi32, #tpu.memory_space<vmem>> -> memref<320xi32, #tpu.memory_space<vmem>>
      %dma_start3A_86 = arith.constant 0 : i32
      %dma_start3A_87 = arith.constant 0 : i32
      %dma_start3A_88 = tpu.memref_slice %arg2[%dma_start3A_86, %dma_start3A_87] : memref<1000000x32xf32, #tpu.memory_space<hbm>> -> memref<1000000x32xf32, #tpu.memory_space<hbm>>
      tpu.enqueue_indirect_dma source(%dma_start3A_88 : memref<1000000x32xf32, #tpu.memory_space<hbm>>) target(%arg9 : memref<320x32xf32, #tpu.memory_space<vmem>>) offsets(%dma_start3A_85 : memref<320xi32, #tpu.memory_space<vmem>>) semaphore(%arg14 : memref<!tpu.dma_semaphore, #tpu.memory_space<semaphore_mem>>)
      %ge3A_89 = arith.constant 2 : i32
      %ge3A_90 = arith.cmpi sge, %add3A_50, %ge3A_89 : i32
      %convert_element_type3A_91 = arith.extui %ge3A_90 : i1 to i32
      %cond3A_92 = arith.constant 0 : i32
      %cond3A_93 = arith.cmpi ne, %convert_element_type3A_91, %cond3A_92 : i32
      scf.if %cond3A_93 {
        %dma_wait3A_192 = arith.constant 0 : i32
        %dma_wait3A_193 = tpu.memref_slice %arg4[%mul3A_2, %dma_wait3A_192] : memref<204800x128xf32, #tpu.memory_space<hbm>> -> memref<320x32xf32, #tpu.memory_space<hbm>>
        %dma_wait3A_194 = arith.constant 0 : i32
        %dma_wait3A_195 = tpu.memref_slice %arg4[%mul3A_2, %dma_wait3A_194] : memref<204800x128xf32, #tpu.memory_space<hbm>> -> memref<320x32xf32, #tpu.memory_space<hbm>>
        tpu.wait_dma2 semaphore(%arg17 : memref<!tpu.dma_semaphore, #tpu.memory_space<semaphore_mem>>) src(%arg10 : memref<320x32xf32, #tpu.memory_space<vmem>>) dst(%dma_wait3A_195 : memref<320x32xf32, #tpu.memory_space<hbm>>)
        %dma_wait3A_196 = arith.constant 32 : i32
        %dma_wait3A_197 = tpu.memref_slice %arg4[%mul3A_2, %dma_wait3A_196] : memref<204800x128xf32, #tpu.memory_space<hbm>> -> memref<320x32xf32, #tpu.memory_space<hbm>>
        %dma_wait3A_198 = arith.constant 32 : i32
        %dma_wait3A_199 = tpu.memref_slice %arg4[%mul3A_2, %dma_wait3A_198] : memref<204800x128xf32, #tpu.memory_space<hbm>> -> memref<320x32xf32, #tpu.memory_space<hbm>>
        tpu.wait_dma2 semaphore(%arg17 : memref<!tpu.dma_semaphore, #tpu.memory_space<semaphore_mem>>) src(%arg11 : memref<320x32xf32, #tpu.memory_space<vmem>>) dst(%dma_wait3A_199 : memref<320x32xf32, #tpu.memory_space<hbm>>)
        %dma_wait3A_200 = arith.constant 64 : i32
        %dma_wait3A_201 = tpu.memref_slice %arg4[%mul3A_2, %dma_wait3A_200] : memref<204800x128xf32, #tpu.memory_space<hbm>> -> memref<320x32xf32, #tpu.memory_space<hbm>>
        %dma_wait3A_202 = arith.constant 64 : i32
        %dma_wait3A_203 = tpu.memref_slice %arg4[%mul3A_2, %dma_wait3A_202] : memref<204800x128xf32, #tpu.memory_space<hbm>> -> memref<320x32xf32, #tpu.memory_space<hbm>>
        tpu.wait_dma2 semaphore(%arg17 : memref<!tpu.dma_semaphore, #tpu.memory_space<semaphore_mem>>) src(%arg12 : memref<320x32xf32, #tpu.memory_space<vmem>>) dst(%dma_wait3A_203 : memref<320x32xf32, #tpu.memory_space<hbm>>)
        %dma_wait3A_204 = arith.constant 96 : i32
        %dma_wait3A_205 = tpu.memref_slice %arg4[%mul3A_2, %dma_wait3A_204] : memref<204800x128xf32, #tpu.memory_space<hbm>> -> memref<320x32xf32, #tpu.memory_space<hbm>>
        %dma_wait3A_206 = arith.constant 96 : i32
        %dma_wait3A_207 = tpu.memref_slice %arg4[%mul3A_2, %dma_wait3A_206] : memref<204800x128xf32, #tpu.memory_space<hbm>> -> memref<320x32xf32, #tpu.memory_space<hbm>>
        tpu.wait_dma2 semaphore(%arg17 : memref<!tpu.dma_semaphore, #tpu.memory_space<semaphore_mem>>) src(%arg13 : memref<320x32xf32, #tpu.memory_space<vmem>>) dst(%dma_wait3A_207 : memref<320x32xf32, #tpu.memory_space<hbm>>)
      } else {
      }
      %add3A_94 = arith.constant 1 : i32
      %add3A_95 = arith.addi %add3A_50, %add3A_94 : i32
      %mul3A_96 = arith.constant 320 : i32
      %mul3A_97 = arith.muli %add3A_95, %mul3A_96 : i32
      %add3A_98 = arith.constant 0 : i32
      %add3A_99 = arith.addi %add3A_98, %mul3A_97 : i32
      %dma_start3A_100 = tpu.memref_slice %arg5[%add3A_99] : memref<25600xi32, #tpu.memory_space<vmem>> -> memref<320xi32, #tpu.memory_space<vmem>>
      %dma_start3A_101 = arith.constant 0 : i32
      %dma_start3A_102 = arith.constant 0 : i32
      %dma_start3A_103 = tpu.memref_slice %arg2[%dma_start3A_101, %dma_start3A_102] : memref<1000000x32xf32, #tpu.memory_space<hbm>> -> memref<1000000x32xf32, #tpu.memory_space<hbm>>
      tpu.enqueue_indirect_dma source(%dma_start3A_103 : memref<1000000x32xf32, #tpu.memory_space<hbm>>) target(%arg10 : memref<320x32xf32, #tpu.memory_space<vmem>>) offsets(%dma_start3A_100 : memref<320xi32, #tpu.memory_space<vmem>>) semaphore(%arg15 : memref<!tpu.dma_semaphore, #tpu.memory_space<semaphore_mem>>)
      %mul3A_104 = arith.constant 320 : i32
      %mul3A_105 = arith.muli %add3A_95, %mul3A_104 : i32
      %add3A_106 = arith.constant 6400 : i32
      %add3A_107 = arith.addi %add3A_106, %mul3A_105 : i32
      %dma_start3A_108 = tpu.memref_slice %arg5[%add3A_107] : memref<25600xi32, #tpu.memory_space<vmem>> -> memref<320xi32, #tpu.memory_space<vmem>>
      %dma_start3A_109 = arith.constant 0 : i32
      %dma_start3A_110 = arith.constant 0 : i32
      %dma_start3A_111 = tpu.memref_slice %arg2[%dma_start3A_109, %dma_start3A_110] : memref<1000000x32xf32, #tpu.memory_space<hbm>> -> memref<1000000x32xf32, #tpu.memory_space<hbm>>
      tpu.enqueue_indirect_dma source(%dma_start3A_111 : memref<1000000x32xf32, #tpu.memory_space<hbm>>) target(%arg11 : memref<320x32xf32, #tpu.memory_space<vmem>>) offsets(%dma_start3A_108 : memref<320xi32, #tpu.memory_space<vmem>>) semaphore(%arg15 : memref<!tpu.dma_semaphore, #tpu.memory_space<semaphore_mem>>)
      %mul3A_112 = arith.constant 320 : i32
      %mul3A_113 = arith.muli %add3A_95, %mul3A_112 : i32
      %add3A_114 = arith.constant 12800 : i32
      %add3A_115 = arith.addi %add3A_114, %mul3A_113 : i32
      %dma_start3A_116 = tpu.memref_slice %arg5[%add3A_115] : memref<25600xi32, #tpu.memory_space<vmem>> -> memref<320xi32, #tpu.memory_space<vmem>>
      %dma_start3A_117 = arith.constant 0 : i32
      %dma_start3A_118 = arith.constant 0 : i32
      %dma_start3A_119 = tpu.memref_slice %arg2[%dma_start3A_117, %dma_start3A_118] : memref<1000000x32xf32, #tpu.memory_space<hbm>> -> memref<1000000x32xf32, #tpu.memory_space<hbm>>
      tpu.enqueue_indirect_dma source(%dma_start3A_119 : memref<1000000x32xf32, #tpu.memory_space<hbm>>) target(%arg12 : memref<320x32xf32, #tpu.memory_space<vmem>>) offsets(%dma_start3A_116 : memref<320xi32, #tpu.memory_space<vmem>>) semaphore(%arg15 : memref<!tpu.dma_semaphore, #tpu.memory_space<semaphore_mem>>)
      %mul3A_120 = arith.constant 320 : i32
      %mul3A_121 = arith.muli %add3A_95, %mul3A_120 : i32
      %add3A_122 = arith.constant 19200 : i32
      %add3A_123 = arith.addi %add3A_122, %mul3A_121 : i32
      %dma_start3A_124 = tpu.memref_slice %arg5[%add3A_123] : memref<25600xi32, #tpu.memory_space<vmem>> -> memref<320xi32, #tpu.memory_space<vmem>>
      %dma_start3A_125 = arith.constant 0 : i32
      %dma_start3A_126 = arith.constant 0 : i32
      %dma_start3A_127 = tpu.memref_slice %arg2[%dma_start3A_125, %dma_start3A_126] : memref<1000000x32xf32, #tpu.memory_space<hbm>> -> memref<1000000x32xf32, #tpu.memory_space<hbm>>
      tpu.enqueue_indirect_dma source(%dma_start3A_127 : memref<1000000x32xf32, #tpu.memory_space<hbm>>) target(%arg13 : memref<320x32xf32, #tpu.memory_space<vmem>>) offsets(%dma_start3A_124 : memref<320xi32, #tpu.memory_space<vmem>>) semaphore(%arg15 : memref<!tpu.dma_semaphore, #tpu.memory_space<semaphore_mem>>)
      %dma_wait3A_128 = tpu.memref_slice %arg5[%add3A_61] : memref<25600xi32, #tpu.memory_space<vmem>> -> memref<320xi32, #tpu.memory_space<vmem>>
      %dma_wait3A_129 = arith.constant 0 : i32
      %dma_wait3A_130 = arith.constant 0 : i32
      %dma_wait3A_131 = tpu.memref_slice %arg2[%dma_wait3A_129, %dma_wait3A_130] : memref<1000000x32xf32, #tpu.memory_space<hbm>> -> memref<1000000x32xf32, #tpu.memory_space<hbm>>
      tpu.wait_indirect_dma semaphore(%arg14 : memref<!tpu.dma_semaphore, #tpu.memory_space<semaphore_mem>>) src(%dma_wait3A_131 : memref<1000000x32xf32, #tpu.memory_space<hbm>>) dst(%arg6 : memref<320x32xf32, #tpu.memory_space<vmem>>)
      %dma_wait3A_132 = tpu.memref_slice %arg5[%add3A_68] : memref<25600xi32, #tpu.memory_space<vmem>> -> memref<320xi32, #tpu.memory_space<vmem>>
      %dma_wait3A_133 = arith.constant 0 : i32
      %dma_wait3A_134 = arith.constant 0 : i32
      %dma_wait3A_135 = tpu.memref_slice %arg2[%dma_wait3A_133, %dma_wait3A_134] : memref<1000000x32xf32, #tpu.memory_space<hbm>> -> memref<1000000x32xf32, #tpu.memory_space<hbm>>
      tpu.wait_indirect_dma semaphore(%arg14 : memref<!tpu.dma_semaphore, #tpu.memory_space<semaphore_mem>>) src(%dma_wait3A_135 : memref<1000000x32xf32, #tpu.memory_space<hbm>>) dst(%arg7 : memref<320x32xf32, #tpu.memory_space<vmem>>)
      %dma_wait3A_136 = tpu.memref_slice %arg5[%add3A_76] : memref<25600xi32, #tpu.memory_space<vmem>> -> memref<320xi32, #tpu.memory_space<vmem>>
      %dma_wait3A_137 = arith.constant 0 : i32
      %dma_wait3A_138 = arith.constant 0 : i32
      %dma_wait3A_139 = tpu.memref_slice %arg2[%dma_wait3A_137, %dma_wait3A_138] : memref<1000000x32xf32, #tpu.memory_space<hbm>> -> memref<1000000x32xf32, #tpu.memory_space<hbm>>
      tpu.wait_indirect_dma semaphore(%arg14 : memref<!tpu.dma_semaphore, #tpu.memory_space<semaphore_mem>>) src(%dma_wait3A_139 : memref<1000000x32xf32, #tpu.memory_space<hbm>>) dst(%arg8 : memref<320x32xf32, #tpu.memory_space<vmem>>)
      %dma_wait3A_140 = tpu.memref_slice %arg5[%add3A_84] : memref<25600xi32, #tpu.memory_space<vmem>> -> memref<320xi32, #tpu.memory_space<vmem>>
      %dma_wait3A_141 = arith.constant 0 : i32
      %dma_wait3A_142 = arith.constant 0 : i32
      %dma_wait3A_143 = tpu.memref_slice %arg2[%dma_wait3A_141, %dma_wait3A_142] : memref<1000000x32xf32, #tpu.memory_space<hbm>> -> memref<1000000x32xf32, #tpu.memory_space<hbm>>
      tpu.wait_indirect_dma semaphore(%arg14 : memref<!tpu.dma_semaphore, #tpu.memory_space<semaphore_mem>>) src(%dma_wait3A_143 : memref<1000000x32xf32, #tpu.memory_space<hbm>>) dst(%arg9 : memref<320x32xf32, #tpu.memory_space<vmem>>)
      %dma_start3A_144 = arith.constant 0 : i32
      %dma_start3A_145 = tpu.memref_slice %arg4[%add3A_53, %dma_start3A_144] : memref<204800x128xf32, #tpu.memory_space<hbm>> -> memref<320x32xf32, #tpu.memory_space<hbm>>
      %dma_start3A_146 = arith.constant 0 : i32
      %dma_start3A_147 = tpu.memref_slice %arg4[%add3A_53, %dma_start3A_146] : memref<204800x128xf32, #tpu.memory_space<hbm>> -> memref<320x32xf32, #tpu.memory_space<hbm>>
      tpu.enqueue_dma source(%arg6 : memref<320x32xf32, #tpu.memory_space<vmem>>) target(%dma_start3A_147 : memref<320x32xf32, #tpu.memory_space<hbm>>) target_semaphore(%arg16 : memref<!tpu.dma_semaphore, #tpu.memory_space<semaphore_mem>>)
      %dma_start3A_148 = arith.constant 32 : i32
      %dma_start3A_149 = tpu.memref_slice %arg4[%add3A_53, %dma_start3A_148] : memref<204800x128xf32, #tpu.memory_space<hbm>> -> memref<320x32xf32, #tpu.memory_space<hbm>>
      %dma_start3A_150 = arith.constant 32 : i32
      %dma_start3A_151 = tpu.memref_slice %arg4[%add3A_53, %dma_start3A_150] : memref<204800x128xf32, #tpu.memory_space<hbm>> -> memref<320x32xf32, #tpu.memory_space<hbm>>
      tpu.enqueue_dma source(%arg7 : memref<320x32xf32, #tpu.memory_space<vmem>>) target(%dma_start3A_151 : memref<320x32xf32, #tpu.memory_space<hbm>>) target_semaphore(%arg16 : memref<!tpu.dma_semaphore, #tpu.memory_space<semaphore_mem>>)
      %dma_start3A_152 = arith.constant 64 : i32
      %dma_start3A_153 = tpu.memref_slice %arg4[%add3A_53, %dma_start3A_152] : memref<204800x128xf32, #tpu.memory_space<hbm>> -> memref<320x32xf32, #tpu.memory_space<hbm>>
      %dma_start3A_154 = arith.constant 64 : i32
      %dma_start3A_155 = tpu.memref_slice %arg4[%add3A_53, %dma_start3A_154] : memref<204800x128xf32, #tpu.memory_space<hbm>> -> memref<320x32xf32, #tpu.memory_space<hbm>>
      tpu.enqueue_dma source(%arg8 : memref<320x32xf32, #tpu.memory_space<vmem>>) target(%dma_start3A_155 : memref<320x32xf32, #tpu.memory_space<hbm>>) target_semaphore(%arg16 : memref<!tpu.dma_semaphore, #tpu.memory_space<semaphore_mem>>)
      %dma_start3A_156 = arith.constant 96 : i32
      %dma_start3A_157 = tpu.memref_slice %arg4[%add3A_53, %dma_start3A_156] : memref<204800x128xf32, #tpu.memory_space<hbm>> -> memref<320x32xf32, #tpu.memory_space<hbm>>
      %dma_start3A_158 = arith.constant 96 : i32
      %dma_start3A_159 = tpu.memref_slice %arg4[%add3A_53, %dma_start3A_158] : memref<204800x128xf32, #tpu.memory_space<hbm>> -> memref<320x32xf32, #tpu.memory_space<hbm>>
      tpu.enqueue_dma source(%arg9 : memref<320x32xf32, #tpu.memory_space<vmem>>) target(%dma_start3A_159 : memref<320x32xf32, #tpu.memory_space<hbm>>) target_semaphore(%arg16 : memref<!tpu.dma_semaphore, #tpu.memory_space<semaphore_mem>>)
      %dma_wait3A_160 = tpu.memref_slice %arg5[%add3A_99] : memref<25600xi32, #tpu.memory_space<vmem>> -> memref<320xi32, #tpu.memory_space<vmem>>
      %dma_wait3A_161 = arith.constant 0 : i32
      %dma_wait3A_162 = arith.constant 0 : i32
      %dma_wait3A_163 = tpu.memref_slice %arg2[%dma_wait3A_161, %dma_wait3A_162] : memref<1000000x32xf32, #tpu.memory_space<hbm>> -> memref<1000000x32xf32, #tpu.memory_space<hbm>>
      tpu.wait_indirect_dma semaphore(%arg15 : memref<!tpu.dma_semaphore, #tpu.memory_space<semaphore_mem>>) src(%dma_wait3A_163 : memref<1000000x32xf32, #tpu.memory_space<hbm>>) dst(%arg10 : memref<320x32xf32, #tpu.memory_space<vmem>>)
      %dma_wait3A_164 = tpu.memref_slice %arg5[%add3A_107] : memref<25600xi32, #tpu.memory_space<vmem>> -> memref<320xi32, #tpu.memory_space<vmem>>
      %dma_wait3A_165 = arith.constant 0 : i32
      %dma_wait3A_166 = arith.constant 0 : i32
      %dma_wait3A_167 = tpu.memref_slice %arg2[%dma_wait3A_165, %dma_wait3A_166] : memref<1000000x32xf32, #tpu.memory_space<hbm>> -> memref<1000000x32xf32, #tpu.memory_space<hbm>>
      tpu.wait_indirect_dma semaphore(%arg15 : memref<!tpu.dma_semaphore, #tpu.memory_space<semaphore_mem>>) src(%dma_wait3A_167 : memref<1000000x32xf32, #tpu.memory_space<hbm>>) dst(%arg11 : memref<320x32xf32, #tpu.memory_space<vmem>>)
      %dma_wait3A_168 = tpu.memref_slice %arg5[%add3A_115] : memref<25600xi32, #tpu.memory_space<vmem>> -> memref<320xi32, #tpu.memory_space<vmem>>
      %dma_wait3A_169 = arith.constant 0 : i32
      %dma_wait3A_170 = arith.constant 0 : i32
      %dma_wait3A_171 = tpu.memref_slice %arg2[%dma_wait3A_169, %dma_wait3A_170] : memref<1000000x32xf32, #tpu.memory_space<hbm>> -> memref<1000000x32xf32, #tpu.memory_space<hbm>>
      tpu.wait_indirect_dma semaphore(%arg15 : memref<!tpu.dma_semaphore, #tpu.memory_space<semaphore_mem>>) src(%dma_wait3A_171 : memref<1000000x32xf32, #tpu.memory_space<hbm>>) dst(%arg12 : memref<320x32xf32, #tpu.memory_space<vmem>>)
      %dma_wait3A_172 = tpu.memref_slice %arg5[%add3A_123] : memref<25600xi32, #tpu.memory_space<vmem>> -> memref<320xi32, #tpu.memory_space<vmem>>
      %dma_wait3A_173 = arith.constant 0 : i32
      %dma_wait3A_174 = arith.constant 0 : i32
      %dma_wait3A_175 = tpu.memref_slice %arg2[%dma_wait3A_173, %dma_wait3A_174] : memref<1000000x32xf32, #tpu.memory_space<hbm>> -> memref<1000000x32xf32, #tpu.memory_space<hbm>>
      tpu.wait_indirect_dma semaphore(%arg15 : memref<!tpu.dma_semaphore, #tpu.memory_space<semaphore_mem>>) src(%dma_wait3A_175 : memref<1000000x32xf32, #tpu.memory_space<hbm>>) dst(%arg13 : memref<320x32xf32, #tpu.memory_space<vmem>>)
      %dma_start3A_176 = arith.constant 0 : i32
      %dma_start3A_177 = tpu.memref_slice %arg4[%add3A_55, %dma_start3A_176] : memref<204800x128xf32, #tpu.memory_space<hbm>> -> memref<320x32xf32, #tpu.memory_space<hbm>>
      %dma_start3A_178 = arith.constant 0 : i32
      %dma_start3A_179 = tpu.memref_slice %arg4[%add3A_55, %dma_start3A_178] : memref<204800x128xf32, #tpu.memory_space<hbm>> -> memref<320x32xf32, #tpu.memory_space<hbm>>
      tpu.enqueue_dma source(%arg10 : memref<320x32xf32, #tpu.memory_space<vmem>>) target(%dma_start3A_179 : memref<320x32xf32, #tpu.memory_space<hbm>>) target_semaphore(%arg17 : memref<!tpu.dma_semaphore, #tpu.memory_space<semaphore_mem>>)
      %dma_start3A_180 = arith.constant 32 : i32
      %dma_start3A_181 = tpu.memref_slice %arg4[%add3A_55, %dma_start3A_180] : memref<204800x128xf32, #tpu.memory_space<hbm>> -> memref<320x32xf32, #tpu.memory_space<hbm>>
      %dma_start3A_182 = arith.constant 32 : i32
      %dma_start3A_183 = tpu.memref_slice %arg4[%add3A_55, %dma_start3A_182] : memref<204800x128xf32, #tpu.memory_space<hbm>> -> memref<320x32xf32, #tpu.memory_space<hbm>>
      tpu.enqueue_dma source(%arg11 : memref<320x32xf32, #tpu.memory_space<vmem>>) target(%dma_start3A_183 : memref<320x32xf32, #tpu.memory_space<hbm>>) target_semaphore(%arg17 : memref<!tpu.dma_semaphore, #tpu.memory_space<semaphore_mem>>)
      %dma_start3A_184 = arith.constant 64 : i32
      %dma_start3A_185 = tpu.memref_slice %arg4[%add3A_55, %dma_start3A_184] : memref<204800x128xf32, #tpu.memory_space<hbm>> -> memref<320x32xf32, #tpu.memory_space<hbm>>
      %dma_start3A_186 = arith.constant 64 : i32
      %dma_start3A_187 = tpu.memref_slice %arg4[%add3A_55, %dma_start3A_186] : memref<204800x128xf32, #tpu.memory_space<hbm>> -> memref<320x32xf32, #tpu.memory_space<hbm>>
      tpu.enqueue_dma source(%arg12 : memref<320x32xf32, #tpu.memory_space<vmem>>) target(%dma_start3A_187 : memref<320x32xf32, #tpu.memory_space<hbm>>) target_semaphore(%arg17 : memref<!tpu.dma_semaphore, #tpu.memory_space<semaphore_mem>>)
      %dma_start3A_188 = arith.constant 96 : i32
      %dma_start3A_189 = tpu.memref_slice %arg4[%add3A_55, %dma_start3A_188] : memref<204800x128xf32, #tpu.memory_space<hbm>> -> memref<320x32xf32, #tpu.memory_space<hbm>>
      %dma_start3A_190 = arith.constant 96 : i32
      %dma_start3A_191 = tpu.memref_slice %arg4[%add3A_55, %dma_start3A_190] : memref<204800x128xf32, #tpu.memory_space<hbm>> -> memref<320x32xf32, #tpu.memory_space<hbm>>
      tpu.enqueue_dma source(%arg13 : memref<320x32xf32, #tpu.memory_space<vmem>>) target(%dma_start3A_191 : memref<320x32xf32, #tpu.memory_space<hbm>>) target_semaphore(%arg17 : memref<!tpu.dma_semaphore, #tpu.memory_space<semaphore_mem>>)
    }
    %scan3A_14 = arith.constant 10 : i32
    %dma_wait3A = arith.constant 0 : i32
    %dma_wait3A_15 = tpu.memref_slice %arg4[%mul3A_2, %dma_wait3A] : memref<204800x128xf32, #tpu.memory_space<hbm>> -> memref<320x32xf32, #tpu.memory_space<hbm>>
    %dma_wait3A_16 = arith.constant 0 : i32
    %dma_wait3A_17 = tpu.memref_slice %arg4[%mul3A_2, %dma_wait3A_16] : memref<204800x128xf32, #tpu.memory_space<hbm>> -> memref<320x32xf32, #tpu.memory_space<hbm>>
    tpu.wait_dma2 semaphore(%arg16 : memref<!tpu.dma_semaphore, #tpu.memory_space<semaphore_mem>>) src(%arg6 : memref<320x32xf32, #tpu.memory_space<vmem>>) dst(%dma_wait3A_17 : memref<320x32xf32, #tpu.memory_space<hbm>>)
    %dma_wait3A_18 = arith.constant 32 : i32
    %dma_wait3A_19 = tpu.memref_slice %arg4[%mul3A_2, %dma_wait3A_18] : memref<204800x128xf32, #tpu.memory_space<hbm>> -> memref<320x32xf32, #tpu.memory_space<hbm>>
    %dma_wait3A_20 = arith.constant 32 : i32
    %dma_wait3A_21 = tpu.memref_slice %arg4[%mul3A_2, %dma_wait3A_20] : memref<204800x128xf32, #tpu.memory_space<hbm>> -> memref<320x32xf32, #tpu.memory_space<hbm>>
    tpu.wait_dma2 semaphore(%arg16 : memref<!tpu.dma_semaphore, #tpu.memory_space<semaphore_mem>>) src(%arg7 : memref<320x32xf32, #tpu.memory_space<vmem>>) dst(%dma_wait3A_21 : memref<320x32xf32, #tpu.memory_space<hbm>>)
    %dma_wait3A_22 = arith.constant 64 : i32
    %dma_wait3A_23 = tpu.memref_slice %arg4[%mul3A_2, %dma_wait3A_22] : memref<204800x128xf32, #tpu.memory_space<hbm>> -> memref<320x32xf32, #tpu.memory_space<hbm>>
    %dma_wait3A_24 = arith.constant 64 : i32
    %dma_wait3A_25 = tpu.memref_slice %arg4[%mul3A_2, %dma_wait3A_24] : memref<204800x128xf32, #tpu.memory_space<hbm>> -> memref<320x32xf32, #tpu.memory_space<hbm>>
    tpu.wait_dma2 semaphore(%arg16 : memref<!tpu.dma_semaphore, #tpu.memory_space<semaphore_mem>>) src(%arg8 : memref<320x32xf32, #tpu.memory_space<vmem>>) dst(%dma_wait3A_25 : memref<320x32xf32, #tpu.memory_space<hbm>>)
    %dma_wait3A_26 = arith.constant 96 : i32
    %dma_wait3A_27 = tpu.memref_slice %arg4[%mul3A_2, %dma_wait3A_26] : memref<204800x128xf32, #tpu.memory_space<hbm>> -> memref<320x32xf32, #tpu.memory_space<hbm>>
    %dma_wait3A_28 = arith.constant 96 : i32
    %dma_wait3A_29 = tpu.memref_slice %arg4[%mul3A_2, %dma_wait3A_28] : memref<204800x128xf32, #tpu.memory_space<hbm>> -> memref<320x32xf32, #tpu.memory_space<hbm>>
    tpu.wait_dma2 semaphore(%arg16 : memref<!tpu.dma_semaphore, #tpu.memory_space<semaphore_mem>>) src(%arg9 : memref<320x32xf32, #tpu.memory_space<vmem>>) dst(%dma_wait3A_29 : memref<320x32xf32, #tpu.memory_space<hbm>>)
    %dma_wait3A_30 = arith.constant 0 : i32
    %dma_wait3A_31 = tpu.memref_slice %arg4[%mul3A_2, %dma_wait3A_30] : memref<204800x128xf32, #tpu.memory_space<hbm>> -> memref<320x32xf32, #tpu.memory_space<hbm>>
    %dma_wait3A_32 = arith.constant 0 : i32
    %dma_wait3A_33 = tpu.memref_slice %arg4[%mul3A_2, %dma_wait3A_32] : memref<204800x128xf32, #tpu.memory_space<hbm>> -> memref<320x32xf32, #tpu.memory_space<hbm>>
    tpu.wait_dma2 semaphore(%arg17 : memref<!tpu.dma_semaphore, #tpu.memory_space<semaphore_mem>>) src(%arg10 : memref<320x32xf32, #tpu.memory_space<vmem>>) dst(%dma_wait3A_33 : memref<320x32xf32, #tpu.memory_space<hbm>>)
    %dma_wait3A_34 = arith.constant 32 : i32
    %dma_wait3A_35 = tpu.memref_slice %arg4[%mul3A_2, %dma_wait3A_34] : memref<204800x128xf32, #tpu.memory_space<hbm>> -> memref<320x32xf32, #tpu.memory_space<hbm>>
    %dma_wait3A_36 = arith.constant 32 : i32
    %dma_wait3A_37 = tpu.memref_slice %arg4[%mul3A_2, %dma_wait3A_36] : memref<204800x128xf32, #tpu.memory_space<hbm>> -> memref<320x32xf32, #tpu.memory_space<hbm>>
    tpu.wait_dma2 semaphore(%arg17 : memref<!tpu.dma_semaphore, #tpu.memory_space<semaphore_mem>>) src(%arg11 : memref<320x32xf32, #tpu.memory_space<vmem>>) dst(%dma_wait3A_37 : memref<320x32xf32, #tpu.memory_space<hbm>>)
    %dma_wait3A_38 = arith.constant 64 : i32
    %dma_wait3A_39 = tpu.memref_slice %arg4[%mul3A_2, %dma_wait3A_38] : memref<204800x128xf32, #tpu.memory_space<hbm>> -> memref<320x32xf32, #tpu.memory_space<hbm>>
    %dma_wait3A_40 = arith.constant 64 : i32
    %dma_wait3A_41 = tpu.memref_slice %arg4[%mul3A_2, %dma_wait3A_40] : memref<204800x128xf32, #tpu.memory_space<hbm>> -> memref<320x32xf32, #tpu.memory_space<hbm>>
    tpu.wait_dma2 semaphore(%arg17 : memref<!tpu.dma_semaphore, #tpu.memory_space<semaphore_mem>>) src(%arg12 : memref<320x32xf32, #tpu.memory_space<vmem>>) dst(%dma_wait3A_41 : memref<320x32xf32, #tpu.memory_space<hbm>>)
    %dma_wait3A_42 = arith.constant 96 : i32
    %dma_wait3A_43 = tpu.memref_slice %arg4[%mul3A_2, %dma_wait3A_42] : memref<204800x128xf32, #tpu.memory_space<hbm>> -> memref<320x32xf32, #tpu.memory_space<hbm>>
    %dma_wait3A_44 = arith.constant 96 : i32
    %dma_wait3A_45 = tpu.memref_slice %arg4[%mul3A_2, %dma_wait3A_44] : memref<204800x128xf32, #tpu.memory_space<hbm>> -> memref<320x32xf32, #tpu.memory_space<hbm>>
    tpu.wait_dma2 semaphore(%arg17 : memref<!tpu.dma_semaphore, #tpu.memory_space<semaphore_mem>>) src(%arg13 : memref<320x32xf32, #tpu.memory_space<vmem>>) dst(%dma_wait3A_45 : memref<320x32xf32, #tpu.memory_space<hbm>>)
    return
  }
}

module attributes {stable_mosaic.version = 14 : i64} {
  func.func @_tc_unpack_kernel(%arg0: i32, %arg1: memref<1600x128xf32, #tpu.memory_space<vmem>>, %arg2: memref<8x200x32xf32, #tpu.memory_space<vmem>>) attributes {dimension_semantics = [#tpu.dimension_semantics<arbitrary>], iteration_bounds = array<i64: 512>, scalar_prefetch = 0 : i64, scratch_operands = 0 : i64, tpu.core_type = #tpu.core_type<tc>, window_params = [{transform_indices = @transform_0, window_bounds = array<i64: 1600, 128>}, {transform_indices = @transform_1, window_bounds = array<i64: 8, 200, 32>}]} {
    %jit3A = arith.constant 128 : i32
    %div3A = arith.divsi %arg0, %jit3A : i32
    %sign3A = arith.constant 0 : i32
    %sign3A_0 = arith.cmpi sgt, %arg0, %sign3A : i32
    %sign3A_1 = arith.extui %sign3A_0 : i1 to i32
    %sign3A_2 = arith.constant 0 : i32
    %sign3A_3 = arith.cmpi slt, %arg0, %sign3A_2 : i32
    %sign3A_4 = arith.extui %sign3A_3 : i1 to i32
    %sign3A_5 = arith.subi %sign3A_1, %sign3A_4 : i32
    %sign3A_6 = arith.constant 0 : i32
    %sign3A_7 = arith.cmpi sgt, %jit3A, %sign3A_6 : i32
    %sign3A_8 = arith.extui %sign3A_7 : i1 to i32
    %sign3A_9 = arith.constant 0 : i32
    %sign3A_10 = arith.cmpi slt, %jit3A, %sign3A_9 : i32
    %sign3A_11 = arith.extui %sign3A_10 : i1 to i32
    %sign3A_12 = arith.subi %sign3A_8, %sign3A_11 : i32
    %ne3A = arith.cmpi ne, %sign3A_5, %sign3A_12 : i32
    %rem3A = arith.remsi %arg0, %jit3A : i32
    %ne3A_13 = arith.constant 0 : i32
    %ne3A_14 = arith.cmpi ne, %rem3A, %ne3A_13 : i32
    %and3A = arith.andi %ne3A, %ne3A_14 : i1
    %sub3A = arith.constant 1 : i32
    %sub3A_15 = arith.subi %div3A, %sub3A : i32
    %select_n3A = arith.select %and3A, %sub3A_15, %div3A : i32
    %get3A = arith.constant 0 : index
    %get3A_16 = arith.constant 0 : index
    %get3A_17 = vector.load %arg1[%get3A, %get3A_16] : memref<1600x128xf32, #tpu.memory_space<vmem>>, vector<1600x128xf32>
    %eq3A = arith.constant 0 : i32
    %eq3A_18 = arith.cmpi eq, %select_n3A, %eq3A : i32
    %convert_element_type3A = arith.extui %eq3A_18 : i1 to i32
    %cond3A = arith.constant 0 : i32
    %cond3A_19 = arith.cmpi ne, %convert_element_type3A, %cond3A : i32
    scf.if %cond3A_19 {
      %slice3A = vector.extract_strided_slice %get3A_17 {offsets = [0, 0], sizes = [1600, 32], strides = [1, 1]} : vector<1600x128xf32> to vector<1600x32xf32>
      %reshape3A = vector.shape_cast %slice3A : vector<1600x32xf32> to vector<8x200x32xf32>
      %swap3A = arith.constant 0 : index
      %swap3A_35 = arith.constant 0 : index
      %swap3A_36 = arith.constant 0 : index
      %swap3A_37 = vector.load %arg2[%swap3A, %swap3A_35, %swap3A_36] : memref<8x200x32xf32, #tpu.memory_space<vmem>>, vector<8x200x32xf32>
      tpu.vector_store %arg2[%swap3A, %swap3A_35, %swap3A_36], %reshape3A {strides = array<i32>} : memref<8x200x32xf32, #tpu.memory_space<vmem>>, vector<8x200x32xf32>,
    } else {
    }
    %eq3A_20 = arith.constant 1 : i32
    %eq3A_21 = arith.cmpi eq, %select_n3A, %eq3A_20 : i32
    %convert_element_type3A_22 = arith.extui %eq3A_21 : i1 to i32
    %cond3A_23 = arith.constant 0 : i32
    %cond3A_24 = arith.cmpi ne, %convert_element_type3A_22, %cond3A_23 : i32
    scf.if %cond3A_24 {
      %slice3A = vector.extract_strided_slice %get3A_17 {offsets = [0, 32], sizes = [1600, 32], strides = [1, 1]} : vector<1600x128xf32> to vector<1600x32xf32>
      %reshape3A = vector.shape_cast %slice3A : vector<1600x32xf32> to vector<8x200x32xf32>
      %swap3A = arith.constant 0 : index
      %swap3A_35 = arith.constant 0 : index
      %swap3A_36 = arith.constant 0 : index
      %swap3A_37 = vector.load %arg2[%swap3A, %swap3A_35, %swap3A_36] : memref<8x200x32xf32, #tpu.memory_space<vmem>>, vector<8x200x32xf32>
      tpu.vector_store %arg2[%swap3A, %swap3A_35, %swap3A_36], %reshape3A {strides = array<i32>} : memref<8x200x32xf32, #tpu.memory_space<vmem>>, vector<8x200x32xf32>,
    } else {
    }
    %eq3A_25 = arith.constant 2 : i32
    %eq3A_26 = arith.cmpi eq, %select_n3A, %eq3A_25 : i32
    %convert_element_type3A_27 = arith.extui %eq3A_26 : i1 to i32
    %cond3A_28 = arith.constant 0 : i32
    %cond3A_29 = arith.cmpi ne, %convert_element_type3A_27, %cond3A_28 : i32
    scf.if %cond3A_29 {
      %slice3A = vector.extract_strided_slice %get3A_17 {offsets = [0, 64], sizes = [1600, 32], strides = [1, 1]} : vector<1600x128xf32> to vector<1600x32xf32>
      %reshape3A = vector.shape_cast %slice3A : vector<1600x32xf32> to vector<8x200x32xf32>
      %swap3A = arith.constant 0 : index
      %swap3A_35 = arith.constant 0 : index
      %swap3A_36 = arith.constant 0 : index
      %swap3A_37 = vector.load %arg2[%swap3A, %swap3A_35, %swap3A_36] : memref<8x200x32xf32, #tpu.memory_space<vmem>>, vector<8x200x32xf32>
      tpu.vector_store %arg2[%swap3A, %swap3A_35, %swap3A_36], %reshape3A {strides = array<i32>} : memref<8x200x32xf32, #tpu.memory_space<vmem>>, vector<8x200x32xf32>,
    } else {
    }
    %eq3A_30 = arith.constant 3 : i32
    %eq3A_31 = arith.cmpi eq, %select_n3A, %eq3A_30 : i32
    %convert_element_type3A_32 = arith.extui %eq3A_31 : i1 to i32
    %cond3A_33 = arith.constant 0 : i32
    %cond3A_34 = arith.cmpi ne, %convert_element_type3A_32, %cond3A_33 : i32
    scf.if %cond3A_34 {
      %slice3A = vector.extract_strided_slice %get3A_17 {offsets = [0, 96], sizes = [1600, 32], strides = [1, 1]} : vector<1600x128xf32> to vector<1600x32xf32>
      %reshape3A = vector.shape_cast %slice3A : vector<1600x32xf32> to vector<8x200x32xf32>
      %swap3A = arith.constant 0 : index
      %swap3A_35 = arith.constant 0 : index
      %swap3A_36 = arith.constant 0 : index
      %swap3A_37 = vector.load %arg2[%swap3A, %swap3A_35, %swap3A_36] : memref<8x200x32xf32, #tpu.memory_space<vmem>>, vector<8x200x32xf32>
      tpu.vector_store %arg2[%swap3A, %swap3A_35, %swap3A_36], %reshape3A {strides = array<i32>} : memref<8x200x32xf32, #tpu.memory_space<vmem>>, vector<8x200x32xf32>,
    } else {
    }
    return
  }
  func.func @transform_0(%arg0: i32) -> (i32, i32) {
    %jit3A = arith.constant 128 : i32
    %eq3A = arith.constant 0 : i32
    %eq3A_0 = arith.cmpi eq, %jit3A, %eq3A : i32
    %jit3A_1 = arith.constant 1 : i32
    %select_n3A = arith.select %eq3A_0, %jit3A_1, %jit3A : i32
    %rem3A = arith.remsi %arg0, %select_n3A : i32
    %ne3A = arith.constant 0 : i32
    %ne3A_2 = arith.cmpi ne, %rem3A, %ne3A : i32
    %lt3A = arith.constant 0 : i32
    %lt3A_3 = arith.cmpi slt, %rem3A, %lt3A : i32
    %lt3A_4 = arith.constant 0 : i32
    %lt3A_5 = arith.cmpi slt, %select_n3A, %lt3A_4 : i32
    %ne3A_6 = arith.xori %lt3A_3, %lt3A_5 : i1
    %and3A = arith.andi %ne3A_6, %ne3A_2 : i1
    %add3A = arith.addi %rem3A, %select_n3A : i32
    %select_n3A_7 = arith.select %and3A, %add3A, %rem3A : i32
    %c0_i32 = arith.constant 0 : i32
    %c0_i32_8 = arith.constant 0 : i32
    return %select_n3A_7, %c0_i32 : i32, i32
  }
  func.func @transform_1(%arg0: i32) -> (i32, i32, i32) {
    %c0_i32 = arith.constant 0 : i32
    %c0_i32_0 = arith.constant 0 : i32
    %c0_i32_1 = arith.constant 0 : i32
    return %arg0, %c0_i32, %c0_i32_0 : i32, i32, i32
  }
}

</mosaic_0001>

<sc_bundles>
// kernel: kernel.4.cloned.1.call-start
scs
__scs_entry_jumppad:
0x0: {  	(pc) =	sbr.rel $0x88, $3  }
0x1: {  	(tag) =	ssettag $0x0;
	lr =	simm.s32 $0x1  }
0x2: {  	[smem:$0x3F9F] =	sst lr;
	_ =	strace $0xD0000000  }
0x3: {  	_ = 	snop  }
0x4: {  	_ = 	snop  }
0x5: {  	_ = 	snop  }
0x6: {  	_ = 	snop  }
0x7: {  	_ = 	snop  }
__scs_overlays_trampoline_lowered:
0x8: {  	[smem:$0x3FAE] =	sst s0  }
0x9: {  	[smem:$0x3FAF] =	sst s1  }
0xa: {  	[smem:$0x3FB0] =	sst s2  }
0xb: {  	[smem:$0x3FB1] =	sst s3  }
0xc: {  	[smem:$0x3FB2] =	sst s4  }
0xd: {  	[smem:$0x3FB3] =	sst s5  }
0xe: {  	[smem:$0x3FB4] =	sst s6  }
0xf: {  	[smem:$0x3FB5] =	sst s7  }
0x10: {  	[smem:$0x3FB6] =	sst s8  }
0x11: {  	[smem:$0x3FB7] =	sst s9;
	s0 =	simm.s32 @!p0 $0x0  }
0x12: {  	s1 =	sld [smem:$0x3F9D];
	s0 =	simm.s32 @p0 $0x1  }
0x13: {  	[smem:$0x3FB8] =	sst s0;
	s0 =	simm.s32 @!p1 $0x0  }
0x14: {  	s2 =	sld [smem:$0x3F9C];
	s0 =	simm.s32 @p1 $0x1  }
0x15: {  	[smem:$0x3FB9] =	sst s0;
	s0 =	simm.s32 @!p2 $0x0  }
0x16: {  	s3 =	sld [smem:$0x3FDB];
	s0 =	simm.s32 @p2 $0x1  }
0x17: {  	s4 =	simm.s32 $0x1BF5;
	[smem:$0x3FBB] =	sst s0  }
0x18: {  	s0 =	sld [smem:$0x3F9E];
	_ =	swait.ge [sflag:s4], $0x0  }
0x19: {  	s7 =	sld [smem:$0x3F9F]  }
0x1a: {  	s8 =	sadd.s32 $0xFFFFE003, lr  }
0x1b: {  	s9 =	sadd.s32 $0xFFFFFEF7, lr;
	s5 =	simm.s32 $0xFFFFFFFF;
	p2 =	slt.u32 s8, $0xFFFFF086  }
0x1c: {  	p1 =	slt.u32 s9, $0xF7A;
	s5 =	simm.s32 @!p2 $0x0  }
0x1d: {  	s5 =	simm.s32 @p1 $0x1;
	p0 =	seq.s32 s7, s2  }
0x1e: {  	s7 =	smul.u32 @!p0 $0xF7A, s2;
	p2 =	seq.s32 @!p0 s5, $0x0  }
0x1f: {  	s9 =	smul.u32 $0xF7A, s1;
	s8 =	simm.s32 @!p0 $0x1BF5;
	p2 =	por !p2, p0  }
0x20: {  	[sflag:s8] =	ssyncset.s32 @!p0 $0xFFFFF086;
	s6 =	sadd.s32 @!p0 s3, s7;
	s7 =	simm.s32 @!p0 $0x108  }
0x21: {  	s3 =	sadd.s32 s3, s9;
	s6 =	sadd.s32 @!p0 $0x88, s6;
	s7 =	simm.s32 @p2 $0x1082  }
0x22: {  	[simem:s7], [sflag:s8] =	dma.local @!p0 [hbm:s6], $0xF7A  }
0x23: {  	s9 =	sor.u32 $0xD0000000, s2;
	s6 =	simm.s32 $0x108;
	_ =	swait.ge @!p0 [sflag:s8], $0x0  }
0x24: {  	s3 =	sadd.s32 $0x88, s3;
	s6 =	simm.s32 @!p1 $0x1082;
	[sflag:s4] =	ssyncset.s32 $0xFFFFF086  }
0x25: {  	[simem:s6], [sflag:s4] =	dma.local [hbm:s3], $0xF7A  }
0x26: {  	[smem:$0x3F9F] =	sst s1;
	(tag) =	ssettag s2;
	_ =	strace s9  }
0x27: {  	s1 =	sld [smem:$0x3FAF]  }
0x28: {  	s2 =	sld [smem:$0x3FB0]  }
0x29: {  	s4 =	sld [smem:$0x3FB2]  }
0x2a: {  	p0 =	seq.s32 s5, $0x0;
	s5 =	sld [smem:$0x3FB3]  }
0x2b: {  	s6 =	sld [smem:$0x3FB4]  }
0x2c: {  	s7 =	sld [smem:$0x3FB5]  }
0x2d: {  	s3 =	simm.s32 $0x108;
	s8 =	sld [smem:$0x3FB6]  }
0x2e: {  	s3 =	simm.s32 @!p0 $0x1082;
	s9 =	sld [smem:$0x3FB7]  }
0x2f: {  	lr =	sadd.s32 s0, s3;
	s0 =	sld [smem:$0x3FAE]  }
0x30: {  	s3 =	sld [smem:$0x3FB1]  }
0x31: {  	[smem:$0x3FBA] =	sst s10  }
0x32: {  	s10 =	sld [smem:$0x3FB8];
	_ =	sdelay $0x3  }
0x33: {  	p0 =	seq.s32 s10, $0x1;
	s10 =	sld [smem:$0x3FBA];
	_ =	sdelay $0x3  }
0x34: {  	[smem:$0x3FBA] =	sst s10  }
0x35: {  	s10 =	sld [smem:$0x3FB9];
	_ =	sdelay $0x3  }
0x36: {  	p1 =	seq.s32 s10, $0x1;
	s10 =	sld [smem:$0x3FBA];
	_ =	sdelay $0x3  }
0x37: {  	[smem:$0x3FBA] =	sst s10  }
0x38: {  	s10 =	sld [smem:$0x3FBB]  }
0x39: {  	_ = 	snop;
	(pc) =	sbr.ind lr, $3  }
0x3a: {  	_ = 	snop  }
0x3b: {  	_ = 	snop  }
0x3c: {  	p2 =	seq.s32 s10, $0x1;
	s10 =	sld [smem:$0x3FBA]  }
0x3d: {  	_ =	shalt  }
0x3e: {  	_ =	shalt  }
0x3f: {  	_ =	shalt  }
0x40: {  	_ =	shalt  }
0x41: {  	_ =	shalt  }
0x42: {  	_ =	shalt  }
0x43: {  	_ =	shalt  }
0x44: {  	_ =	shalt  }
0x45: {  	_ =	shalt  }
0x46: {  	_ =	shalt  }
0x47: {  	_ =	shalt  }
0x48: {  	_ =	shalt  }
0x49: {  	_ =	shalt  }
0x4a: {  	_ =	shalt  }
0x4b: {  	_ =	shalt  }
0x4c: {  	_ =	shalt  }
0x4d: {  	_ =	shalt  }
0x4e: {  	_ =	shalt  }
0x4f: {  	_ =	shalt  }
0x50: {  	_ =	shalt  }
0x51: {  	_ =	shalt  }
0x52: {  	_ =	shalt  }
0x53: {  	_ =	shalt  }
0x54: {  	_ =	shalt  }
0x55: {  	_ =	shalt  }
0x56: {  	_ =	shalt  }
0x57: {  	_ =	shalt  }
0x58: {  	_ =	shalt  }
0x59: {  	_ =	shalt  }
0x5a: {  	_ =	shalt  }
0x5b: {  	_ =	shalt  }
0x5c: {  	_ =	shalt  }
0x5d: {  	_ =	shalt  }
0x5e: {  	_ =	shalt  }
0x5f: {  	_ =	shalt  }
0x60: {  	_ =	shalt  }
0x61: {  	_ =	shalt  }
0x62: {  	_ =	shalt  }
0x63: {  	_ =	shalt  }
0x64: {  	_ =	shalt  }
0x65: {  	_ =	shalt  }
0x66: {  	_ =	shalt  }
0x67: {  	_ =	shalt  }
0x68: {  	_ =	shalt  }
0x69: {  	_ =	shalt  }
0x6a: {  	_ =	shalt  }
0x6b: {  	_ =	shalt  }
0x6c: {  	_ =	shalt  }
0x6d: {  	_ =	shalt  }
0x6e: {  	_ =	shalt  }
0x6f: {  	_ =	shalt  }
0x70: {  	_ =	shalt  }
0x71: {  	_ =	shalt  }
0x72: {  	_ =	shalt  }
0x73: {  	_ =	shalt  }
0x74: {  	_ =	shalt  }
0x75: {  	_ =	shalt  }
0x76: {  	_ =	shalt  }
0x77: {  	_ =	shalt  }
0x78: {  	_ =	shalt  }
0x79: {  	_ =	shalt  }
0x7a: {  	_ =	shalt  }
0x7b: {  	_ =	shalt  }
0x7c: {  	_ =	shalt  }
0x7d: {  	_ =	shalt  }
0x7e: {  	_ =	shalt  }
0x7f: {  	_ =	shalt  }
0x80: {  	_ =	shalt  }
0x81: {  	_ =	shalt  }
0x82: {  	_ =	shalt  }
0x83: {  	_ =	shalt  }
0x84: {  	_ =	shalt  }
0x85: {  	_ =	shalt  }
0x86: {  	_ =	shalt  }
0x87: {  	_ =	shalt  }
.Lfunc_end0:
.L_simem_size_0:
called_computation_lowered:
.L_overlay_start_0:
0x88: {  	s2 =	sld [smem:$0x3FD9]  }
0x89: {  	s3 =	sld [smem:$0x3FFE];
	_ =	sdelay $0x1  }
0x8a: {  	s1 =	srdreg.scid  }
0x8b: {  	s0 =	sand.u32 $0x1, s1  }
0x8c: {  	s17 =	sshll.u32 s0, $0xA;
	s2 =	sadd.s32 s3, s2  }
0x8d: {  	s2 =	sadd.s32 s2, s17  }
0x8e: {  	[smem:$0x3FC6] =	sst s2  }
0x8f: {  	_ = 	snop  }
0x90: {  	s2 =	sld [smem:$0x3FD0];
	(tm) =	ssettm $0x1  }
0x91: {  	s18 =	sld [smem:$0x3FFB];
	_ =	sdelay $0x3  }
0x92: {  	_ =	strace s18  }
0x93: {  	s3 =	sld [smem:$0x3FFC];
	_ =	sdelay $0x3  }
0x94: {  	_ =	strace s3  }
0x95: {  	s3 =	sld [smem:$0x3FFD];
	_ =	sdelay $0x3  }
0x96: {  	_ =	strace s3  }
0x97: {  	_ =	strace $0x8FFFFFFF  }
0x98: {  	s19 =	sld [smem:$0x3FDB];
	_ =	sdelay $0x1  }
0x99: {  	s4 =	simm.s32 $_scs_section_size  }
0x9a: {  	s5 =	simm.s32 $_size__tile_overlayer_lowered;
	s6 =	simm.s32 $_tile_overlayer_lowered  }
0x9b: {  	s22 =	simm.s32 $0x1BFF;
	s21 =	sshll.u32 s6, $0x1;
	s3 =	sadd.s32 s4, s19  }
0x9c: {  	s7 =	simm.s32 $0x0;
	s20 =	sshll.u32 s5, $0x1;
	s5 =	sadd.s32 s21, s3  }
0x9d: {  	[timem:s7], [sflag:s22] =	dma.local [hbm:s5], s20  }
0x9e: {  	_ =	swait.ge [sflag:s22], s20  }
0x9f: {  	s4 =	ssub.s32 $0x0, s20;
	[sflag:s22] =	ssyncset.done $0x0  }
0xa0: {  	[sflag:s22] =	ssyncadd.s32 s4;
	_ =	sdelay $0x1  }
0xa1: {  	s23 =	simm.s32 $0x1B8B  }
0xa2: {  	_ =	swait.ge [sflag:s23], $0x1  }
0xa3: {  	[sflag:s23] =	ssyncset.done $0x0  }
0xa4: {  	s25 =	simm.s32 $0x1B8E;
	s24 =	sld [smem:$0x3FFE];
	[sflag:s23] =	ssyncadd.s32 $0xFFFFFFFF  }
0xa5: {  	s26 =	simm.s32 $execute0_lowered;
	[smem:$0x3FD2] =	sst s25  }
0xa6: {  	s5 =	sshll.u32 s26, $0x1;
	_ =	strace $0x80000046;
	[dreg:$0x1] =	wrdreg $0xFFFFFFFF  }
0xa7: {  	s28 =	simm.s32 $_size_execute0_lowered;
	s3 =	sadd.s32 s3, s5;
	[dreg:$0x0] =	wrdreg $0x0  }
0xa8: {  	s5 =	sshll.u32 s28, $0x1;
	[dreg:$0x2] =	wrdreg s3  }
0xa9: {  	[dreg:$0x3] =	wrdreg s5  }
0xaa: {  	[dreg:$0x4] =	wrdreg $0xC0  }
0xab: {  	_ =	task [dreg:s7], $0x5FFFF  }
0xac: {  	[dreg:$0x1] =	wrdreg $0xFFFFFFFF  }
0xad: {  	[dreg:$0x0] =	wrdreg $0x60  }
0xae: {  	[dreg:$0x2] =	wrdreg s24  }
0xaf: {  	[dreg:$0x3] =	wrdreg s2  }
0xb0: {  	[dreg:$0x4] =	wrdreg $0x9  }
0xb1: {  	_ =	task.clear_ibuf [dreg:s7], $0x5FFFF;
	_ =	strace $0x90000046  }
0xb2: {  	s29 =	simm.s32 $0x9;
	_ =	strace $0x80000048  }
0xb3: {  	_ =	swait.ge [sflag:s29], $0x1  }
0xb4: {  	[sflag:s29] =	ssyncadd.s32 $0xFFFFFFFF  }
0xb5: {  	_ =	strace $0x90000048  }
0xb6: {  	_ =	sfence  }
0xb7: {  	s30 =	sld [smem:$0x0];
	_ =	sdelay $0x2  }
0xb8: {  	s31 =	sshll.u32 s1, $0xD;
	s1 =	sshrl.u32 s1, $0x2  }
0xb9: {  	s3 =	sand.u32 $0x4000, s31;
	s1 =	sadd.s32 s1, s30  }
0xba: {  	s0 =	sor.u32 s3, s0;
	s1 =	sshll.u32 s1, $0x11  }
0xbb: {  	s0 =	sor.u32 s1, s0  }
0xbc: {  	s0 =	sadd.s32 $0x8F2B, s0  }
0xbd: {  	[sflag:s0] =	ssyncadd.remote.s32 $0x1  }
0xbe: {  	_ =	sfence.sel $0xFFFF  }
0xbf: {  	[dreg:$0x0] =	wrdreg $0xFFFFFFFF;
	(pc) =	sbr.abs _section_cstart, $3  }
0xc0: {  	[dreg:$0x1] =	wrdreg $0xFFFFFFFF  }
0xc1: {  	_ =	task.clear_ibuf [dreg:s7], $0x2FFFF;
	_ =	strace $0x9FFFFFFF  }
0xc2: {  	(tm) =	ssettm $0x7FFFFFFF  }
0xc3: {  	_ =	shalt  }
tec
execute0_lowered:
.L_overlay_start_1:
0x0: {  	(tag) =	ssettag $0x1  }
0x1: {  	s0 =	srdreg.scid;
	s1 =	rddreg [dreg:$0x0]  }
0x2: {  	s12 =	stileid.u32;
	s2 =	rddreg [dreg:$0x1];
	s14 =	simm.s32 $0x140  }
0x3: {  	s15 =	simm.s32 $0x6400;
	s16 =	simm.s32 $0x8C00;
	s17 =	simm.s32 $0xB400  }
0x4: {  	s18 =	simm.s32 $0xDC00;
	s19 =	simm.s32 $0x10400;
	s6 =	smul.u32 $0x190000, s12  }
0x5: {  	s28 =	simm.s32 $0x3;
	s0 =	sand.u32 $0x1, s0;
	s25 =	smul.u32 $0x32000, s12  }
0x6: {  	s29 =	simm.s32 $0x4;
	s3 =	sshll.u32 s12, $0x1;
	s7 =	smul.u32 $0xC8000, s0  }
0x7: {  	s4 =	sor.u32 s0, s3;
	s8 =	ssub.s32 $0x2, s0;
	s0 =	smul.u32 $0x19000, s0  }
0x8: {  	s30 =	simm.s32 $0x0;
	s3 =	simm.s32 $0x0;
	s5 =	smul.u32 $0x1900, s4  }
0x9: {  	[smem:$0x7FF] =	sst s3;
	s4 =	sadd.s32 $0xF42A00, s1;
	s20 =	sshrl.u32 s8, $0x1  }
0xa: {  	_ =	strace $0x80000047;
	s9 =	sadd.s32 s7, s6;
	s10 =	ssub.s32 s8, s20  }
0xb: {  	s0 =	sadd.s32 s0, s25;
	s20 =	simm.s32 $0x12C00;
	s25 =	simm.s32 $0x80  }
0xc: {  	s5 =	sshrl.u32 s5, $0x3;
	s7 =	sadd.s32 $0xA060, s9;
	s11 =	sadd.s32 $0xA040, s9  }
0xd: {  	s24 =	sadd.s32 $0xA020, s9;
	s9 =	sadd.s32 $0xA000, s9;
	[dreg:$0x7] =	wrdreg s0  }
0xe: {  	s1 =	sadd.s32 s5, s1;
	s22 =	sshrl.u32 s7, $0x3;
	s23 =	sshrl.u32 s11, $0x3  }
0xf: {  	s26 =	sshrl.u32 s24, $0x3;
	s31 =	sshrl.u32 s9, $0x3;
	s9 =	smax.u32 s10, $0x1  }
0x10: {  	s10 =	simm.s32 $0x5;
	s24 =	simm.s32 $0x20;
	[dreg:$0x3] =	wrdreg s22  }
0x11: {  	s21 =	sadd.s32 $0x600, s1;
	s6 =	sadd.s32 $0x6A00, s1;
	[dreg:$0x4] =	wrdreg s23  }
0x12: {  	s7 =	sadd.s32 $0xCE00, s1;
	s8 =	sadd.s32 $0x13200, s1;
	[dreg:$0x5] =	wrdreg s26  }
0x13: {  	[dreg:$0x6] =	wrdreg s31;
	s22 =	simm.s32 $0x17C00;
	s23 =	simm.s32 $0x1  }
0x14: {  	s26 =	simm.s32 $0x2;
	[dreg:$0x8] =	wrdreg s21;
	s21 =	simm.s32 $0x15400  }
.LBB2_1:
0x15: {  	s0 =	rddreg [dreg:$0x8]  }
0x16: {  	[tilespmem:s3], [sflag:$0x5] =	stream.linear.gather [hbm4b:s0+s3], $0x1900, $0x38;
	[tilespmem:$0x1A400] =	vst v63  }
0x17: {  	_ =	swait.ge [sflag:s10], $0x1900  }
0x18: {  	[sflag:s10] =	ssyncset.done $0x0  }
0x19: {  	s5 =	simm.s32 $0x1900;
	[sflag:s10] =	ssyncadd.s32 $0xFFFFE700  }
0x1a: {  	[tilespmem:s5], [sflag:$0x5] =	stream.linear.gather [hbm4b:s6+s3], $0x1900, $0x38;
	[tilespmem:$0x1A400] =	vst v63  }
0x1b: {  	_ =	swait.ge [sflag:s10], $0x1900  }
0x1c: {  	[sflag:s10] =	ssyncset.done $0x0  }
0x1d: {  	s11 =	simm.s32 $0x3200;
	[sflag:s10] =	ssyncadd.s32 $0xFFFFE700  }
0x1e: {  	[tilespmem:s11], [sflag:$0x5] =	stream.linear.gather [hbm4b:s7+s3], $0x1900, $0x38;
	[tilespmem:$0x1A400] =	vst v63  }
0x1f: {  	_ =	swait.ge [sflag:s10], $0x1900  }
0x20: {  	[sflag:s10] =	ssyncset.done $0x0  }
0x21: {  	s12 =	simm.s32 $0x4B00;
	[sflag:s10] =	ssyncadd.s32 $0xFFFFE700  }
0x22: {  	[tilespmem:s12], [sflag:$0x5] =	stream.linear.gather [hbm4b:s8+s3], $0x1900, $0x38;
	[tilespmem:$0x1A400] =	vst v63  }
0x23: {  	p0 =	por $0x1, $0x1;
	_ =	swait.ge [sflag:s10], $0x1900  }
0x24: {  	p0 =	por p0, p0;
	[sflag:s10] =	ssyncset.done $0x0  }
0x25: {  	s0 =	simm.s32 @!p0 $0x3;
	[sflag:s10] =	ssyncadd.s32 $0xFFFFE700  }
0x26: {  	_ =	swait.ge @!p0 [sflag:s0], $0x2800  }
0x27: {  	[sflag:s0] =	ssyncset.done @!p0 $0x0  }
0x28: {  	[sflag:s0] =	ssyncadd.s32 @!p0 $0xFFFFD800  }
0x29: {  	_ =	swait.ge @!p0 [sflag:s0], $0x2800  }
0x2a: {  	[sflag:s0] =	ssyncset.done @!p0 $0x0  }
0x2b: {  	[sflag:s0] =	ssyncadd.s32 @!p0 $0xFFFFD800  }
0x2c: {  	_ =	swait.ge @!p0 [sflag:s0], $0x2800  }
0x2d: {  	[sflag:s0] =	ssyncset.done @!p0 $0x0  }
0x2e: {  	[sflag:s0] =	ssyncadd.s32 @!p0 $0xFFFFD800  }
0x2f: {  	_ =	swait.ge @!p0 [sflag:s0], $0x2800  }
0x30: {  	[sflag:s0] =	ssyncset.done @!p0 $0x0  }
0x31: {  	s13 =	simm.s32 $0x0;
	[sflag:s0] =	ssyncadd.s32 @!p0 $0xFFFFD800  }
0x32: {  	[tilespmem:s15], [sflag:$0x1] =	stream.indirect.gather [hbm4b:s4+s14], $0x20, s13, s14, $0xb8;
	[tilespmem:$0x1A400] =	vst v63  }
0x33: {  	s1 =	simm.s32 $0x1900  }
0x34: {  	[tilespmem:s16], [sflag:$0x1] =	stream.indirect.gather [hbm4b:s4+s14], $0x20, s1, s14, $0xb8;
	[tilespmem:$0x1A400] =	vst v63  }
0x35: {  	s5 =	simm.s32 $0x3200  }
0x36: {  	[tilespmem:s17], [sflag:$0x1] =	stream.indirect.gather [hbm4b:s4+s14], $0x20, s5, s14, $0xb8;
	[tilespmem:$0x1A400] =	vst v63  }
0x37: {  	s11 =	simm.s32 $0x4B00;
	s1 =	simm.s32 @!p0 $0x4  }
0x38: {  	[tilespmem:s18], [sflag:$0x1] =	stream.indirect.gather [hbm4b:s4+s14], $0x20, s11, s14, $0xb8;
	[tilespmem:$0x1A400] =	vst v63  }
0x39: {  	_ =	swait.ge @!p0 [sflag:s1], $0x2800  }
0x3a: {  	[sflag:s1] =	ssyncset.done @!p0 $0x0  }
0x3b: {  	[sflag:s1] =	ssyncadd.s32 @!p0 $0xFFFFD800  }
0x3c: {  	_ =	swait.ge @!p0 [sflag:s1], $0x2800  }
0x3d: {  	[sflag:s1] =	ssyncset.done @!p0 $0x0  }
0x3e: {  	[sflag:s1] =	ssyncadd.s32 @!p0 $0xFFFFD800  }
0x3f: {  	_ =	swait.ge @!p0 [sflag:s1], $0x2800  }
0x40: {  	[sflag:s1] =	ssyncset.done @!p0 $0x0  }
0x41: {  	[sflag:s1] =	ssyncadd.s32 @!p0 $0xFFFFD800  }
0x42: {  	_ =	swait.ge @!p0 [sflag:s1], $0x2800  }
0x43: {  	[sflag:s1] =	ssyncset.done @!p0 $0x0  }
0x44: {  	s12 =	simm.s32 $0x140;
	[sflag:s1] =	ssyncadd.s32 @!p0 $0xFFFFD800  }
0x45: {  	[tilespmem:s19], [sflag:$0x2] =	stream.indirect.gather [hbm4b:s4+s14], $0x20, s12, s14, $0xb8;
	[tilespmem:$0x1A400] =	vst v63  }
0x46: {  	s13 =	simm.s32 $0x1A40  }
0x47: {  	[tilespmem:s20], [sflag:$0x2] =	stream.indirect.gather [hbm4b:s4+s14], $0x20, s13, s14, $0xb8;
	[tilespmem:$0x1A400] =	vst v63  }
0x48: {  	s1 =	simm.s32 $0x3340  }
0x49: {  	[tilespmem:s21], [sflag:$0x2] =	stream.indirect.gather [hbm4b:s4+s14], $0x20, s1, s14, $0xb8;
	[tilespmem:$0x1A400] =	vst v63  }
0x4a: {  	s5 =	simm.s32 $0x4C40  }
0x4b: {  	[tilespmem:s22], [sflag:$0x2] =	stream.indirect.gather [hbm4b:s4+s14], $0x20, s5, s14, $0xb8;
	[tilespmem:$0x1A400] =	vst v63  }
0x4c: {  	_ =	swait.ge [sflag:s23], $0x2800  }
0x4d: {  	[sflag:s23] =	ssyncset.done $0x0  }
0x4e: {  	[sflag:s23] =	ssyncadd.s32 $0xFFFFD800  }
0x4f: {  	_ =	swait.ge [sflag:s23], $0x2800  }
0x50: {  	[sflag:s23] =	ssyncset.done $0x0  }
0x51: {  	[sflag:s23] =	ssyncadd.s32 $0xFFFFD800  }
0x52: {  	_ =	swait.ge [sflag:s23], $0x2800  }
0x53: {  	[sflag:s23] =	ssyncset.done $0x0  }
0x54: {  	[sflag:s23] =	ssyncadd.s32 $0xFFFFD800  }
0x55: {  	_ =	swait.ge [sflag:s23], $0x2800  }
0x56: {  	s11 =	rddreg [dreg:$0x7];
	[sflag:s23] =	ssyncset.done $0x0  }
0x57: {  	[sflag:s23] =	ssyncadd.s32 $0xFFFFD800;
	s0 =	sadd.s32 s2, s11  }
0x58: {  	[hbm4b:s0+s24] =	stream.strided.scatter [tilespmem:s15], [sflag:$0x3], $0x2800, s25, s24, $0x38;
	[tilespmem:$0x1A400] =	vst v63  }
0x59: {  	s12 =	sadd.s32 $0x4, s0  }
0x5a: {  	[hbm4b:s12+s24] =	stream.strided.scatter [tilespmem:s16], [sflag:$0x3], $0x2800, s25, s24, $0x38;
	[tilespmem:$0x1A400] =	vst v63  }
0x5b: {  	s13 =	sadd.s32 $0x8, s0  }
0x5c: {  	[hbm4b:s13+s24] =	stream.strided.scatter [tilespmem:s17], [sflag:$0x3], $0x2800, s25, s24, $0x38;
	[tilespmem:$0x1A400] =	vst v63  }
0x5d: {  	s0 =	sadd.s32 $0xC, s0  }
0x5e: {  	[hbm4b:s0+s24] =	stream.strided.scatter [tilespmem:s18], [sflag:$0x3], $0x2800, s25, s24, $0x38;
	[tilespmem:$0x1A400] =	vst v63  }
0x5f: {  	_ =	swait.ge [sflag:s26], $0x2800  }
0x60: {  	[sflag:s26] =	ssyncset.done $0x0  }
0x61: {  	[sflag:s26] =	ssyncadd.s32 $0xFFFFD800  }
0x62: {  	_ =	swait.ge [sflag:s26], $0x2800  }
0x63: {  	[sflag:s26] =	ssyncset.done $0x0  }
0x64: {  	[sflag:s26] =	ssyncadd.s32 $0xFFFFD800  }
0x65: {  	_ =	swait.ge [sflag:s26], $0x2800  }
0x66: {  	[sflag:s26] =	ssyncset.done $0x0  }
0x67: {  	[sflag:s26] =	ssyncadd.s32 $0xFFFFD800  }
0x68: {  	_ =	swait.ge [sflag:s26], $0x2800  }
0x69: {  	s1 =	rddreg [dreg:$0x6]  }
0x6a: {  	p6 =	por $0x0, $0x0;
	s5 =	rddreg [dreg:$0x5]  }
0x6b: {  	p0 =	por p6, p6;
	[sflag:s26] =	ssyncset.done $0x0;
	s11 =	rddreg [dreg:$0x4]  }
0x6c: {  	s31 =	rddreg [dreg:$0x3];
	[sflag:s26] =	ssyncadd.s32 $0xFFFFD800;
	s0 =	sadd.s32 s2, s1  }
0x6d: {  	[hbm4b:s0+s24] =	stream.strided.scatter [tilespmem:s19], [sflag:$0x4], $0x2800, s25, s24, $0x38;
	[tilespmem:$0x1A400] =	vst v63  }
0x6e: {  	s12 =	sadd.s32 s2, s5;
	s13 =	sadd.s32 s2, s11;
	s1 =	simm.s32 $0xA00  }
0x6f: {  	[hbm4b:s12+s24] =	stream.strided.scatter [tilespmem:s20], [sflag:$0x4], $0x2800, s25, s24, $0x38;
	[tilespmem:$0x1A400] =	vst v63  }
0x70: {  	s11 =	sadd.s32 s2, s31;
	s31 =	sadd.s32 $0x2800, s2;
	s0 =	simm.s32 $0x1400  }
0x71: {  	[hbm4b:s13+s24] =	stream.strided.scatter [tilespmem:s21], [sflag:$0x4], $0x2800, s25, s24, $0x38;
	[tilespmem:$0x1A400] =	vst v63  }
.LBB2_2:
0x72: {  	[hbm4b:s11+s24] =	stream.strided.scatter [tilespmem:s22], [sflag:$0x4], $0x2800, s25, s24, $0x38;
	[tilespmem:$0x1A400] =	vst v63  }
0x73: {  	s12 =	simm.s32 @!p0 $0x3  }
0x74: {  	_ =	swait.ge @!p0 [sflag:s12], $0x2800  }
0x75: {  	[sflag:s12] =	ssyncset.done @!p0 $0x0  }
0x76: {  	[sflag:s12] =	ssyncadd.s32 @!p0 $0xFFFFD800  }
0x77: {  	_ =	swait.ge @!p0 [sflag:s12], $0x2800  }
0x78: {  	[sflag:s12] =	ssyncset.done @!p0 $0x0  }
0x79: {  	[sflag:s12] =	ssyncadd.s32 @!p0 $0xFFFFD800  }
0x7a: {  	_ =	swait.ge @!p0 [sflag:s12], $0x2800  }
0x7b: {  	[sflag:s12] =	ssyncset.done @!p0 $0x0  }
0x7c: {  	[sflag:s12] =	ssyncadd.s32 @!p0 $0xFFFFD800  }
0x7d: {  	_ =	swait.ge @!p0 [sflag:s12], $0x2800  }
0x7e: {  	[sflag:s12] =	ssyncset.done @!p0 $0x0  }
0x7f: {  	[sflag:s12] =	ssyncadd.s32 @!p0 $0xFFFFD800;
	s12 =	sshra.s32 s1, $0x2  }
0x80: {  	[tilespmem:s15], [sflag:$0x1] =	stream.indirect.gather [hbm4b:s4+s14], $0x20, s12, s14, $0xb8;
	[tilespmem:$0x1A400] =	vst v63  }
0x81: {  	s13 =	smov.u32 s0;
	s5 =	sadd.s32 $0x1900, s12  }
0x82: {  	[tilespmem:s16], [sflag:$0x1] =	stream.indirect.gather [hbm4b:s4+s14], $0x20, s5, s14, $0xb8;
	[tilespmem:$0x1A400] =	vst v63  }
0x83: {  	p2 =	seq.s32 s13, $0x0;
	s1 =	smov.u32 s13;
	s13 =	sadd.s32 $0x3200, s12  }
0x84: {  	[tilespmem:s17], [sflag:$0x1] =	stream.indirect.gather [hbm4b:s4+s14], $0x20, s13, s14, $0xb8;
	[tilespmem:$0x1A400] =	vst v63  }
0x85: {  	s5 =	sadd.s32 $0x4B00, s12;
	s13 =	simm.s32 @!p0 $0x4  }
0x86: {  	[tilespmem:s18], [sflag:$0x1] =	stream.indirect.gather [hbm4b:s4+s14], $0x20, s5, s14, $0xb8;
	[tilespmem:$0x1A400] =	vst v63  }
0x87: {  	_ =	swait.ge @!p0 [sflag:s13], $0x2800  }
0x88: {  	[sflag:s13] =	ssyncset.done @!p0 $0x0  }
0x89: {  	[sflag:s13] =	ssyncadd.s32 @!p0 $0xFFFFD800  }
0x8a: {  	_ =	swait.ge @!p0 [sflag:s13], $0x2800  }
0x8b: {  	[sflag:s13] =	ssyncset.done @!p0 $0x0  }
0x8c: {  	[sflag:s13] =	ssyncadd.s32 @!p0 $0xFFFFD800  }
0x8d: {  	_ =	swait.ge @!p0 [sflag:s13], $0x2800  }
0x8e: {  	[sflag:s13] =	ssyncset.done @!p0 $0x0  }
0x8f: {  	[sflag:s13] =	ssyncadd.s32 @!p0 $0xFFFFD800  }
0x90: {  	_ =	swait.ge @!p0 [sflag:s13], $0x2800  }
0x91: {  	[sflag:s13] =	ssyncset.done @!p0 $0x0  }
0x92: {  	s5 =	sadd.s32 $0x140, s12;
	[sflag:s13] =	ssyncadd.s32 @!p0 $0xFFFFD800  }
0x93: {  	[tilespmem:s19], [sflag:$0x2] =	stream.indirect.gather [hbm4b:s4+s14], $0x20, s5, s14, $0xb8;
	[tilespmem:$0x1A400] =	vst v63  }
0x94: {  	s13 =	sadd.s32 $0x1A40, s12  }
0x95: {  	[tilespmem:s20], [sflag:$0x2] =	stream.indirect.gather [hbm4b:s4+s14], $0x20, s13, s14, $0xb8;
	[tilespmem:$0x1A400] =	vst v63  }
0x96: {  	s5 =	sadd.s32 $0x3340, s12  }
0x97: {  	[tilespmem:s21], [sflag:$0x2] =	stream.indirect.gather [hbm4b:s4+s14], $0x20, s5, s14, $0xb8;
	[tilespmem:$0x1A400] =	vst v63  }
0x98: {  	s12 =	sadd.s32 $0x4C40, s12  }
0x99: {  	[tilespmem:s22], [sflag:$0x2] =	stream.indirect.gather [hbm4b:s4+s14], $0x20, s12, s14, $0xb8;
	[tilespmem:$0x1A400] =	vst v63  }
0x9a: {  	_ =	swait.ge [sflag:s23], $0x2800  }
0x9b: {  	[sflag:s23] =	ssyncset.done $0x0  }
0x9c: {  	[sflag:s23] =	ssyncadd.s32 $0xFFFFD800  }
0x9d: {  	_ =	swait.ge [sflag:s23], $0x2800  }
0x9e: {  	[sflag:s23] =	ssyncset.done $0x0  }
0x9f: {  	[sflag:s23] =	ssyncadd.s32 $0xFFFFD800  }
0xa0: {  	_ =	swait.ge [sflag:s23], $0x2800  }
0xa1: {  	[sflag:s23] =	ssyncset.done $0x0  }
0xa2: {  	[sflag:s23] =	ssyncadd.s32 $0xFFFFD800  }
0xa3: {  	_ =	swait.ge [sflag:s23], $0x2800  }
0xa4: {  	s13 =	rddreg [dreg:$0x7];
	[sflag:s23] =	ssyncset.done $0x0  }
0xa5: {  	[sflag:s23] =	ssyncadd.s32 $0xFFFFD800;
	s11 =	sadd.s32 s31, s13  }
0xa6: {  	[hbm4b:s11+s24] =	stream.strided.scatter [tilespmem:s15], [sflag:$0x3], $0x2800, s25, s24, $0x38;
	[tilespmem:$0x1A400] =	vst v63  }
0xa7: {  	s5 =	sadd.s32 $0x4, s11  }
0xa8: {  	[hbm4b:s5+s24] =	stream.strided.scatter [tilespmem:s16], [sflag:$0x3], $0x2800, s25, s24, $0x38;
	[tilespmem:$0x1A400] =	vst v63  }
0xa9: {  	s13 =	sadd.s32 $0x8, s11  }
0xaa: {  	[hbm4b:s13+s24] =	stream.strided.scatter [tilespmem:s17], [sflag:$0x3], $0x2800, s25, s24, $0x38;
	[tilespmem:$0x1A400] =	vst v63  }
0xab: {  	s11 =	sadd.s32 $0xC, s11  }
0xac: {  	[hbm4b:s11+s24] =	stream.strided.scatter [tilespmem:s18], [sflag:$0x3], $0x2800, s25, s24, $0x38;
	[tilespmem:$0x1A400] =	vst v63  }
0xad: {  	_ =	swait.ge [sflag:s26], $0x2800  }
0xae: {  	[sflag:s26] =	ssyncset.done $0x0  }
0xaf: {  	[sflag:s26] =	ssyncadd.s32 $0xFFFFD800  }
0xb0: {  	_ =	swait.ge [sflag:s26], $0x2800  }
0xb1: {  	[sflag:s26] =	ssyncset.done $0x0  }
0xb2: {  	[sflag:s26] =	ssyncadd.s32 $0xFFFFD800  }
0xb3: {  	_ =	swait.ge [sflag:s26], $0x2800  }
0xb4: {  	[sflag:s26] =	ssyncset.done $0x0  }
0xb5: {  	[sflag:s26] =	ssyncadd.s32 $0xFFFFD800  }
0xb6: {  	s0 =	sadd.s32 $0xA00, s0;
	_ =	swait.ge [sflag:s26], $0x2800  }
0xb7: {  	p1 =	sne.s32 s0, $0x6400;
	s5 =	rddreg [dreg:$0x6];
	[sflag:s26] =	ssyncset.done $0x0  }
0xb8: {  	s12 =	rddreg [dreg:$0x5];
	[sflag:s26] =	ssyncadd.s32 $0xFFFFD800;
	s11 =	sadd.s32 s31, s5  }
0xb9: {  	[hbm4b:s11+s24] =	stream.strided.scatter [tilespmem:s19], [sflag:$0x4], $0x2800, s25, s24, $0x38;
	[tilespmem:$0x1A400] =	vst v63  }
.Ltmp0:
0xba: {  	s13 =	rddreg [dreg:$0x4];
	(pc) =	sbr.rel @p1 .LBB2_2-.Ltmp0, $4  }
0xbb: {  	p0 =	por p2, p2;
	s5 =	rddreg [dreg:$0x3];
	s12 =	sadd.s32 s31, s12  }
0xbc: {  	[hbm4b:s12+s24] =	stream.strided.scatter [tilespmem:s20], [sflag:$0x4], $0x2800, s25, s24, $0x38;
	[tilespmem:$0x1A400] =	vst v63  }
0xbd: {  	s13 =	sadd.s32 s31, s13;
	s11 =	sadd.s32 s31, s5;
	s31 =	sadd.s32 $0x2800, s31  }
0xbe: {  	[hbm4b:s13+s24] =	stream.strided.scatter [tilespmem:s21], [sflag:$0x4], $0x2800, s25, s24, $0x38;
	[tilespmem:$0x1A400] =	vst v63  }
0xbf: {  	[hbm4b:s11+s24] =	stream.strided.scatter [tilespmem:s22], [sflag:$0x4], $0x2800, s25, s24, $0x38;
	[tilespmem:$0x1A400] =	vst v63  }
0xc0: {  	s0 =	simm.s32 @!p0 $0x3  }
0xc1: {  	_ =	swait.ge @!p0 [sflag:s0], $0x2800  }
0xc2: {  	[sflag:s0] =	ssyncset.done @!p0 $0x0  }
0xc3: {  	[sflag:s0] =	ssyncadd.s32 @!p0 $0xFFFFD800  }
0xc4: {  	_ =	swait.ge @!p0 [sflag:s0], $0x2800  }
0xc5: {  	[sflag:s0] =	ssyncset.done @!p0 $0x0  }
0xc6: {  	[sflag:s0] =	ssyncadd.s32 @!p0 $0xFFFFD800  }
0xc7: {  	_ =	swait.ge @!p0 [sflag:s0], $0x2800  }
0xc8: {  	[sflag:s0] =	ssyncset.done @!p0 $0x0  }
0xc9: {  	[sflag:s0] =	ssyncadd.s32 @!p0 $0xFFFFD800  }
0xca: {  	_ =	swait.ge @!p0 [sflag:s0], $0x2800  }
0xcb: {  	[sflag:s0] =	ssyncset.done @!p0 $0x0  }
0xcc: {  	[sflag:s0] =	ssyncadd.s32 @!p0 $0xFFFFD800;
	s0 =	sshra.s32 s1, $0x2  }
0xcd: {  	[tilespmem:s15], [sflag:$0x1] =	stream.indirect.gather [hbm4b:s4+s14], $0x20, s0, s14, $0xb8;
	[tilespmem:$0x1A400] =	vst v63  }
0xce: {  	s1 =	sadd.s32 $0x1900, s0  }
0xcf: {  	[tilespmem:s16], [sflag:$0x1] =	stream.indirect.gather [hbm4b:s4+s14], $0x20, s1, s14, $0xb8;
	[tilespmem:$0x1A400] =	vst v63  }
0xd0: {  	s5 =	sadd.s32 $0x3200, s0  }
0xd1: {  	[tilespmem:s17], [sflag:$0x1] =	stream.indirect.gather [hbm4b:s4+s14], $0x20, s5, s14, $0xb8;
	[tilespmem:$0x1A400] =	vst v63  }
0xd2: {  	s11 =	sadd.s32 $0x4B00, s0;
	s5 =	simm.s32 @!p0 $0x4  }
0xd3: {  	[tilespmem:s18], [sflag:$0x1] =	stream.indirect.gather [hbm4b:s4+s14], $0x20, s11, s14, $0xb8;
	[tilespmem:$0x1A400] =	vst v63  }
0xd4: {  	_ =	swait.ge @!p0 [sflag:s5], $0x2800  }
0xd5: {  	[sflag:s5] =	ssyncset.done @!p0 $0x0  }
0xd6: {  	[sflag:s5] =	ssyncadd.s32 @!p0 $0xFFFFD800  }
0xd7: {  	_ =	swait.ge @!p0 [sflag:s5], $0x2800  }
0xd8: {  	[sflag:s5] =	ssyncset.done @!p0 $0x0  }
0xd9: {  	[sflag:s5] =	ssyncadd.s32 @!p0 $0xFFFFD800  }
0xda: {  	_ =	swait.ge @!p0 [sflag:s5], $0x2800  }
0xdb: {  	[sflag:s5] =	ssyncset.done @!p0 $0x0  }
0xdc: {  	[sflag:s5] =	ssyncadd.s32 @!p0 $0xFFFFD800  }
0xdd: {  	_ =	swait.ge @!p0 [sflag:s5], $0x2800  }
0xde: {  	[sflag:s5] =	ssyncset.done @!p0 $0x0  }
0xdf: {  	s12 =	sadd.s32 $0x140, s0;
	[sflag:s5] =	ssyncadd.s32 @!p0 $0xFFFFD800  }
0xe0: {  	[tilespmem:s19], [sflag:$0x2] =	stream.indirect.gather [hbm4b:s4+s14], $0x20, s12, s14, $0xb8;
	[tilespmem:$0x1A400] =	vst v63  }
0xe1: {  	s13 =	sadd.s32 $0x1A40, s0  }
0xe2: {  	[tilespmem:s20], [sflag:$0x2] =	stream.indirect.gather [hbm4b:s4+s14], $0x20, s13, s14, $0xb8;
	[tilespmem:$0x1A400] =	vst v63  }
0xe3: {  	s5 =	sadd.s32 $0x3340, s0  }
0xe4: {  	[tilespmem:s21], [sflag:$0x2] =	stream.indirect.gather [hbm4b:s4+s14], $0x20, s5, s14, $0xb8;
	[tilespmem:$0x1A400] =	vst v63  }
0xe5: {  	s0 =	sadd.s32 $0x4C40, s0  }
0xe6: {  	[tilespmem:s22], [sflag:$0x2] =	stream.indirect.gather [hbm4b:s4+s14], $0x20, s0, s14, $0xb8;
	[tilespmem:$0x1A400] =	vst v63  }
0xe7: {  	_ =	swait.ge [sflag:s23], $0x2800  }
0xe8: {  	[sflag:s23] =	ssyncset.done $0x0  }
0xe9: {  	[sflag:s23] =	ssyncadd.s32 $0xFFFFD800  }
0xea: {  	_ =	swait.ge [sflag:s23], $0x2800  }
0xeb: {  	[sflag:s23] =	ssyncset.done $0x0  }
0xec: {  	[sflag:s23] =	ssyncadd.s32 $0xFFFFD800  }
0xed: {  	_ =	swait.ge [sflag:s23], $0x2800  }
0xee: {  	[sflag:s23] =	ssyncset.done $0x0  }
0xef: {  	[sflag:s23] =	ssyncadd.s32 $0xFFFFD800  }
0xf0: {  	_ =	swait.ge [sflag:s23], $0x2800  }
0xf1: {  	s11 =	rddreg [dreg:$0x7];
	[sflag:s23] =	ssyncset.done $0x0  }
0xf2: {  	[sflag:s23] =	ssyncadd.s32 $0xFFFFD800;
	s0 =	sadd.s32 s31, s11  }
0xf3: {  	[hbm4b:s0+s24] =	stream.strided.scatter [tilespmem:s15], [sflag:$0x3], $0x2800, s25, s24, $0x38;
	[tilespmem:$0x1A400] =	vst v63  }
0xf4: {  	s12 =	sadd.s32 $0x4, s0  }
0xf5: {  	[hbm4b:s12+s24] =	stream.strided.scatter [tilespmem:s16], [sflag:$0x3], $0x2800, s25, s24, $0x38;
	[tilespmem:$0x1A400] =	vst v63  }
0xf6: {  	s13 =	sadd.s32 $0x8, s0  }
0xf7: {  	[hbm4b:s13+s24] =	stream.strided.scatter [tilespmem:s17], [sflag:$0x3], $0x2800, s25, s24, $0x38;
	[tilespmem:$0x1A400] =	vst v63  }
0xf8: {  	s0 =	sadd.s32 $0xC, s0  }
0xf9: {  	[hbm4b:s0+s24] =	stream.strided.scatter [tilespmem:s18], [sflag:$0x3], $0x2800, s25, s24, $0x38;
	[tilespmem:$0x1A400] =	vst v63  }
0xfa: {  	_ =	swait.ge [sflag:s26], $0x2800  }
0xfb: {  	[sflag:s26] =	ssyncset.done $0x0  }
0xfc: {  	[sflag:s26] =	ssyncadd.s32 $0xFFFFD800  }
0xfd: {  	_ =	swait.ge [sflag:s26], $0x2800  }
0xfe: {  	[sflag:s26] =	ssyncset.done $0x0  }
0xff: {  	[sflag:s26] =	ssyncadd.s32 $0xFFFFD800  }
0x100: {  	_ =	swait.ge [sflag:s26], $0x2800  }
0x101: {  	[sflag:s26] =	ssyncset.done $0x0  }
0x102: {  	[sflag:s26] =	ssyncadd.s32 $0xFFFFD800  }
0x103: {  	_ =	swait.ge [sflag:s26], $0x2800  }
0x104: {  	s1 =	rddreg [dreg:$0x6];
	[sflag:s26] =	ssyncset.done $0x0  }
0x105: {  	s5 =	rddreg [dreg:$0x5];
	[sflag:s26] =	ssyncadd.s32 $0xFFFFD800;
	s0 =	sadd.s32 s31, s1  }
0x106: {  	[hbm4b:s0+s24] =	stream.strided.scatter [tilespmem:s19], [sflag:$0x4], $0x2800, s25, s24, $0x38;
	[tilespmem:$0x1A400] =	vst v63  }
0x107: {  	s11 =	rddreg [dreg:$0x4];
	s1 =	sadd.s32 s31, s5  }
0x108: {  	[hbm4b:s1+s24] =	stream.strided.scatter [tilespmem:s20], [sflag:$0x4], $0x2800, s25, s24, $0x38;
	[tilespmem:$0x1A400] =	vst v63  }
0x109: {  	s12 =	rddreg [dreg:$0x3];
	s13 =	sadd.s32 s31, s11  }
0x10a: {  	[hbm4b:s13+s24] =	stream.strided.scatter [tilespmem:s21], [sflag:$0x4], $0x2800, s25, s24, $0x38;
	[tilespmem:$0x1A400] =	vst v63  }
0x10b: {  	s0 =	sadd.s32 s31, s12  }
0x10c: {  	[hbm4b:s0+s24] =	stream.strided.scatter [tilespmem:s22], [sflag:$0x4], $0x2800, s25, s24, $0x38;
	[tilespmem:$0x1A400] =	vst v63  }
0x10d: {  	_ =	swait.ge [sflag:s28], $0x2800  }
0x10e: {  	[sflag:s28] =	ssyncset.done $0x0  }
0x10f: {  	[sflag:s28] =	ssyncadd.s32 $0xFFFFD800  }
0x110: {  	_ =	swait.ge [sflag:s28], $0x2800  }
0x111: {  	[sflag:s28] =	ssyncset.done $0x0  }
0x112: {  	[sflag:s28] =	ssyncadd.s32 $0xFFFFD800  }
0x113: {  	_ =	swait.ge [sflag:s28], $0x2800  }
0x114: {  	[sflag:s28] =	ssyncset.done $0x0  }
0x115: {  	[sflag:s28] =	ssyncadd.s32 $0xFFFFD800  }
0x116: {  	_ =	swait.ge [sflag:s28], $0x2800  }
0x117: {  	[sflag:s28] =	ssyncset.done $0x0  }
0x118: {  	[sflag:s28] =	ssyncadd.s32 $0xFFFFD800  }
0x119: {  	_ =	swait.ge [sflag:s29], $0x2800  }
0x11a: {  	[sflag:s29] =	ssyncset.done $0x0  }
0x11b: {  	[sflag:s29] =	ssyncadd.s32 $0xFFFFD800  }
0x11c: {  	_ =	swait.ge [sflag:s29], $0x2800  }
0x11d: {  	[sflag:s29] =	ssyncset.done $0x0  }
0x11e: {  	s30 =	sadd.s32 $0x1, s30;
	[sflag:s29] =	ssyncadd.s32 $0xFFFFD800  }
0x11f: {  	p0 =	sne.s32 s30, s9;
	_ =	swait.ge [sflag:s29], $0x2800  }
.Ltmp1:
0x120: {  	[sflag:s29] =	ssyncset.done $0x0;
	(pc) =	sbr.rel @p0 .LBB2_1-.Ltmp1, $4  }
0x121: {  	[sflag:s29] =	ssyncadd.s32 $0xFFFFD800  }
0x122: {  	_ =	swait.ge [sflag:s29], $0x2800  }
0x123: {  	[sflag:s29] =	ssyncset.done $0x0  }
0x124: {  	[sflag:s29] =	ssyncadd.s32 $0xFFFFD800  }
0x125: {  	_ =	sfence.sel $0x180000  }
0x126: {  	[bflag:$0x0] =	sbarrier.arrive $0xFFFF  }
0x127: {  	_ =	strace $0x90000047  }
0x128: {  	s0 =	stileid.u32;
	[bflag:$0x2] =	sbarrier.arrive $0xFFFF  }
0x129: {  	p0 =	sne.s32 s0, $0x0;
	s0 =	rddreg [dreg:$0x2]  }
0x12a: {  	s0 =	sadd.s32 @!p0 $0x100000, s0  }
0x12b: {  	[sflag:s0] =	ssyncadd.tile.s32 @!p0 $0x1;
	_ =	shalt  }
.Lfunc_end2:
_tile_overlayer_lowered:
.L_overlay_start_2:
0x12c: {  	(tag) =	ssettag $0x2  }
0x12d: {  	s0 =	rddreg [dreg:$0x0];
	s2 =	stileid.u32  }
0x12e: {  	s1 =	rddreg [dreg:$0x1];
	p0 =	sne.s32 s2, $0x0  }
0x12f: {  	s3 =	rddreg [dreg:$0x2];
	[bflag:$0x3] =	sbarrier.arrive $0xFFFF;
	s2 =	simm.s32 @!p0 $0x1C05  }
0x130: {  	[timem:s3], [sflag:s2] =	dma.local @!p0 [hbm:s0], s1  }
0x131: {  	s0 =	simm.s32 @!p0 $0x5  }
0x132: {  	_ =	swait.ge @!p0 [sflag:s0], s1  }
0x133: {  	s1 =	ssub.s32 @!p0 $0x0, s1;
	[sflag:s0] =	ssyncset.done @!p0 $0x0  }
0x134: {  	[sflag:s0] =	ssyncadd.s32 @!p0 s1  }
0x135: {  	[bflag:$0x3] =	sbarrier.arrive $0xFFFF  }
0x136: {  	_ =	shalt  }

</sc_bundles>
